<compile_context>
chip_gen: v7x
topology: tpu7x:2x2x1
jax: 0.10.2.dev20260603
libtpu: 0.0.44.dev20260713+nightly
codegen_flags: <defaults>
</compile_context>

<pallas_src>
import functools

import jax
import jax.numpy as jnp
from jax import lax
from jax.experimental import pallas as pl
from jax.experimental.pallas import tpu as pltpu
from jax.experimental.pallas import tpu_sc as plsc

_B, _L = 1024, 200
_N = _B * _L
_HD = 64
_NC, _NS = 2, 16
_NW = _NC * _NS
_CHUNK = _N // _NW
_K = 128
_NBLK = _CHUNK // _K

_f32 = jnp.float32
_bf16 = jnp.bfloat16
_i32 = jnp.int32


def _fold_body(wi, wg, e9i, e9g, wte, wq, wtg, wg1, wse, wc,
               ii, gi, tei, qi, tgi, g1i, g2i, sei, bgi,
               o_igt, o_te, o_q, o_g1, o_g2, o_se, o_idx):
    wcv = wc[...]

    def mm(a, b):
        return jnp.dot(a, b, preferred_element_type=_f32)

    a_int = mm(wi[...], wcv[0:21, :])
    a_gue = mm(wg[...], wcv[474:484, :])
    a_ig = mm(e9i[...], a_int) + mm(e9g[...], a_gue)
    a_tag = mm(wtg[...], wcv[63:84, :])
    nt = a_tag.shape[0]
    o_igt[...] = (a_ig[:, None, :] + a_tag[None, :, :]).reshape(9 * nt, _HD)
    o_te[...] = mm(wte[...], wcv[21:42, :])
    o_q[...] = mm(wq[...], wcv[42:63, :])
    o_g1[...] = mm(wg1[...], wcv[85:200, :])
    o_g2[...] = mm(wg1[...], wcv[200:315, :])
    o_se[...] = mm(wse[...], wcv[315:415, :])
    o_idx[...] = jnp.stack(
        [(ii[...] * 3 + gi[...]) * nt + tgi[...], tei[...], qi[...],
         g1i[...], g2i[...], sei[...], bgi[...]], axis=0)


def _fold(wi, wg, e9i, e9g, wte, wq, wtg, wg1, wse, wc, idx_arrays):
    n_te, n_q, n_tg, n_g1, n_se = (wte.shape[0], wq.shape[0], wtg.shape[0],
                                   wg1.shape[0], wse.shape[0])
    out_shape = (
        jax.ShapeDtypeStruct((9 * n_tg, _HD), _f32),
        jax.ShapeDtypeStruct((n_te, _HD), _f32),
        jax.ShapeDtypeStruct((n_q, _HD), _f32),
        jax.ShapeDtypeStruct((n_g1, _HD), _f32),
        jax.ShapeDtypeStruct((n_g1, _HD), _f32),
        jax.ShapeDtypeStruct((n_se, _HD), _f32),
        jax.ShapeDtypeStruct((7, _N), _i32),
    )
    return pl.pallas_call(_fold_body, out_shape=out_shape)(
        wi, wg, e9i, e9g, wte, wq, wtg, wg1, wse, wc, *idx_arrays)


_PB = 8192


def _project_body(w_big, w50, o):
    o[...] = jnp.dot(w_big[...], w50[...], preferred_element_type=_f32)


def _project(w_big, w50):
    v = w_big.shape[0]
    grid = (pl.cdiv(v, _PB),)
    return pl.pallas_call(
        _project_body,
        grid=grid,
        in_specs=[
            pl.BlockSpec((_PB, 50), lambda i: (i, 0)),
            pl.BlockSpec((50, _HD), lambda i: (0, 0)),
        ],
        out_specs=pl.BlockSpec((_PB, _HD), lambda i: (i, 0)),
        out_shape=jax.ShapeDtypeStruct((v, _HD), _f32),
    )(w_big, w50)


def _sc_body(idx_hbm,
             t_igt, t_te, t_q, t_g1, t_g2, t_se, t_big,
             s_hbm,
             idx_all, rows, sem_g, sem_s):
    cid = lax.axis_index("c")
    sid = lax.axis_index("s")
    wid = sid * _NC + cid
    base = wid * _CHUNK

    tables = (t_igt, t_te, t_q, t_g1, t_g2, t_se, t_big)

    stage = pltpu.make_async_copy(
        idx_hbm.at[:, pl.ds(base, _CHUNK)], idx_all, sem_g)
    stage.start()
    stage.wait()

    def scatter_cp(blk):
        return pltpu.make_async_copy(
            rows.at[0], s_hbm.at[pl.ds(base + blk * _K, _K)], sem_s)

    def blk_body(blk, carry):
        off = blk * _K

        @pl.when(blk > 0)
        def _():
            scatter_cp(blk - 1).wait()

        cps = []
        for j in range(7):
            cp = pltpu.make_async_copy(
                tables[j].at[idx_all.at[j, pl.ds(off, _K)]], rows.at[j],
                sem_g)
            cp.start()
            cps.append(cp)
        for cp in cps:
            cp.wait()

        def tok(t, c2):
            for c in range(_HD // 16):
                sl = pl.ds(c * 16, 16)
                acc = rows[0, t, sl]
                for j in range(1, 7):
                    acc = acc + rows[j, t, sl]
                rows[0, t, sl] = acc
            return c2

        lax.fori_loop(0, _K, tok, 0, unroll=4)

        scatter_cp(blk).start()
        return carry

    lax.fori_loop(0, _NBLK, blk_body, 0)
    scatter_cp(_NBLK - 1).wait()


def _sc_gather_sum(idx_packed,
                   t_igt, t_te, t_q, t_g1, t_g2, t_se, t_big):
    mesh = plsc.VectorSubcoreMesh(core_axis_name="c", subcore_axis_name="s")
    kern = pl.kernel(
        _sc_body,
        compiler_params=pltpu.CompilerParams(use_tc_tiling_on_sc=False),
        out_type=jax.ShapeDtypeStruct((_N, _HD), _f32),
        mesh=mesh,
        scratch_types=[
            pltpu.VMEM((7, _CHUNK), _i32),
            pltpu.VMEM((7, _K, _HD), _f32),
            pltpu.SemaphoreType.DMA,
            pltpu.SemaphoreType.DMA,
        ],
    )
    return kern(idx_packed, t_igt, t_te, t_q, t_g1, t_g2, t_se, t_big)


_TB = 2048


def _combine_body(s, sc, w12, b, o):
    o[...] = s[...] + jnp.dot(sc[...], w12[...],
                              preferred_element_type=_f32) + b[...]


def _combine(s, scal, w12, b):
    grid = (_N // _TB,)
    return pl.pallas_call(
        _combine_body,
        grid=grid,
        in_specs=[
            pl.BlockSpec((_TB, _HD), lambda i: (i, 0)),
            pl.BlockSpec((_TB, 12), lambda i: (i, 0)),
            pl.BlockSpec((12, _HD), lambda i: (0, 0)),
            pl.BlockSpec((1, _HD), lambda i: (0, 0)),
        ],
        out_specs=pl.BlockSpec((_TB, _HD), lambda i: (i, 0)),
        out_shape=jax.ShapeDtypeStruct((_N, _HD), _f32),
    )(s, scal, w12, b)


def kernel(test, question, tag, correct, mask, interaction, duration,
           startTime, elapsedTime, test_group_one, test_group_two, serial,
           solved_count, correct_before, wrong_before, same_tag_solved_count,
           same_tag_correct_before, same_tag_wrong_before,
           item_correct_percent, user_correct_percent, current_correct_count,
           tag_group_one, tag_group_two, time_for_solve, guess_yn,
           guess_yn_user, guess_yn_test, guess_yn_serial, guess_yn_assessment,
           guess_yn_tag, guess_yn_day, guess_yn_group_one, guess_yn_group_two,
           correct_percent_group_one, correct_percent_group_two,
           correct_percent_serial, day_of_week, duration_user,
           item_difficulty, W_interaction, W_test, W_question, W_tag,
           W_test_group_one, W_serial, W_tag_group_two, W_guess, W_comb,
           b_comb):
    batch_size = interaction.shape[0]

    r9 = jnp.arange(9)
    e9i = (r9[:, None] // 3 == jnp.arange(3)[None, :]).astype(_f32)
    e9g = (r9[:, None] % 3 == jnp.arange(3)[None, :]).astype(_f32)

    flat = lambda a: a.reshape(_N)
    idx_arrays = (flat(interaction), flat(guess_yn), flat(test),
                  flat(question), flat(tag), flat(test_group_one),
                  flat(test_group_two), flat(serial), flat(tag_group_two))
    *folded, idx_packed = _fold(W_interaction, W_guess, e9i, e9g, W_test,
                                W_question, W_tag, W_test_group_one,
                                W_serial, W_comb, idx_arrays)
    w50 = lax.slice(W_comb, (422, 0), (472, _HD))
    t_big = _project(W_tag_group_two, w50)

    s_out = _sc_gather_sum(idx_packed, *folded, t_big)

    scal = jnp.stack(
        [duration, solved_count, correct_before, wrong_before,
         same_tag_solved_count, same_tag_correct_before,
         same_tag_wrong_before, current_correct_count, time_for_solve,
         user_correct_percent, day_of_week.astype(_f32), item_difficulty],
        axis=-1).reshape(_N, 12)

    w12 = W_comb[jnp.array([84, 415, 416, 417, 418, 419, 420, 421,
                            472, 473, 484, 485]), :]
    x = _combine(s_out, scal, w12, b_comb.reshape(1, _HD))
    return (x.reshape(_B, _L, _HD), batch_size)

# --- scband reference (transcript-rebuilt; emitter-appended) ---
"""Pipeline reference for scband-model-base-84928683311512 (READ-ONLY COPY).

The authoritative reference and input builder live on the scoring server;
editing this copy changes nothing except your own understanding.
"""

import jax, jax.numpy as jnp
import numpy as np

B, L = 1024, 200
HD = 64
INTD = HD // 3  # 21
N_TESTS, N_QUESTIONS, N_TAGS = 1538, 9455, 913
FEATLEN = INTD * 4 + 1 + 115 * 2 + 100 + 50 + 11 + 10  # 486


def setup_inputs(seed: int = 0) -> dict:
    key = jax.random.key(seed)
    keys = jax.random.split(key, 50)
    ki = iter(keys)

    def ri(hi):
        return jax.random.randint(next(ki), (B, L), 0, hi, dtype=jnp.int32)

    def rf():
        return jax.random.uniform(next(ki), (B, L), dtype=jnp.float32)

    def rn(shape):
        return jax.random.normal(next(ki), shape, dtype=jnp.float32) * 0.02

    inp = {}
    inp['test'] = ri(N_TESTS + 1)
    inp['question'] = ri(N_QUESTIONS + 1)
    inp['tag'] = ri(N_TAGS + 1)
    inp['correct'] = ri(2)
    inp['mask'] = jnp.ones((B, L), jnp.float32)
    inp['interaction'] = ri(3)
    inp['duration'] = rf()
    inp['startTime'] = rf()
    inp['elapsedTime'] = rf()
    inp['test_group_one'] = ri(1001)
    inp['test_group_two'] = ri(1001)
    inp['serial'] = ri(1001)
    for name in ['solved_count', 'correct_before', 'wrong_before', 'same_tag_solved_count', 'same_tag_correct_before', 'same_tag_wrong_before', 'item_correct_percent', 'user_correct_percent', 'current_correct_count']:
        inp[name] = rf()
    inp['tag_group_one'] = ri(N_TAGS * 1000 + 1)
    inp['tag_group_two'] = ri(N_TAGS * 1000 + 1)
    inp['time_for_solve'] = rf()
    for name in ['guess_yn', 'guess_yn_user', 'guess_yn_test', 'guess_yn_serial', 'guess_yn_assessment', 'guess_yn_tag', 'guess_yn_day', 'guess_yn_group_one', 'guess_yn_group_two']:
        inp[name] = ri(3)
    for name in ['correct_percent_group_one', 'correct_percent_group_two', 'correct_percent_serial']:
        inp[name] = rf()
    inp['day_of_week'] = ri(7)
    inp['duration_user'] = rf()
    inp['item_difficulty'] = rf()
    # learned parameters (only those that affect the forward output)
    inp['W_interaction'] = rn((3, INTD))
    inp['W_test'] = rn((N_TESTS + 1, INTD))
    inp['W_question'] = rn((N_QUESTIONS + 1, INTD))
    inp['W_tag'] = rn((N_TAGS + 1, INTD))
    inp['W_test_group_one'] = rn((1001, 115))
    inp['W_serial'] = rn((1001, 100))
    inp['W_tag_group_two'] = rn((N_TAGS * 1000 + 1, 50))
    inp['W_guess'] = rn((3, 10))
    inp['W_comb'] = rn((FEATLEN, HD))
    inp['b_comb'] = jnp.zeros((HD,), jnp.float32)
    return inp


def reference(test, question, tag, correct, mask, interaction, duration, startTime, elapsedTime, test_group_one, test_group_two, serial, solved_count, correct_before, wrong_before, same_tag_solved_count, same_tag_correct_before, same_tag_wrong_before, item_correct_percent, user_correct_percent, current_correct_count, tag_group_one, tag_group_two, time_for_solve, guess_yn, guess_yn_user, guess_yn_test, guess_yn_serial, guess_yn_assessment, guess_yn_tag, guess_yn_day, guess_yn_group_one, guess_yn_group_two, correct_percent_group_one, correct_percent_group_two, correct_percent_serial, day_of_week, duration_user, item_difficulty, W_interaction, W_test, W_question, W_tag, W_test_group_one, W_serial, W_tag_group_two, W_guess, W_comb, b_comb):
    batch_size = interaction.shape[0]
    e_int = jnp.take(W_interaction, interaction, axis=0)
    e_test = jnp.take(W_test, test, axis=0)
    e_q = jnp.take(W_question, question, axis=0)
    e_tag = jnp.take(W_tag, tag, axis=0)
    e_tg1 = jnp.take(W_test_group_one, test_group_one, axis=0)
    # NOTE: original torch code indexes embedding_test_group_one with test_group_two (preserved)
    e_tg2 = jnp.take(W_test_group_one, test_group_two, axis=0)
    e_serial = jnp.take(W_serial, serial, axis=0)
    e_tagg2 = jnp.take(W_tag_group_two, tag_group_two, axis=0)
    e_guess = jnp.take(W_guess, guess_yn, axis=0)

    def u(v):
        return v.astype(jnp.float32)[..., None]

    embed = jnp.concatenate([e_int, e_test, e_q, e_tag, u(duration), e_tg1, e_tg2, e_serial, u(solved_count), u(correct_before), u(wrong_before), u(same_tag_solved_count), u(same_tag_correct_before), u(same_tag_wrong_before), u(current_correct_count), e_tagg2, u(time_for_solve), u(user_correct_percent), e_guess, u(day_of_week), u(item_difficulty)], axis=2)
    X = embed @ W_comb + b_comb
    return (X, batch_size)

if __name__ == "__main__":
    import jax
    _d = setup_inputs()
    print(jax.jit(kernel)(*tuple(_d.values())))

</pallas_src>

<mosaic_0001>
#map = affine_map<(d0, d1) -> (0, 0)>
module attributes {stable_mosaic.version = 14 : i64} {
  func.func @_sc_body(%arg0: i32, %arg1: i32, %arg2: memref<7x204800xi32, #tpu.memory_space<hbm>>, %arg3: memref<8226x64xf32, #tpu.memory_space<hbm>>, %arg4: memref<1539x64xf32, #tpu.memory_space<hbm>>, %arg5: memref<9456x64xf32, #tpu.memory_space<hbm>>, %arg6: memref<1001x64xf32, #tpu.memory_space<hbm>>, %arg7: memref<1001x64xf32, #tpu.memory_space<hbm>>, %arg8: memref<1001x64xf32, #tpu.memory_space<hbm>>, %arg9: memref<913001x64xf32, #tpu.memory_space<hbm>>, %arg10: memref<204800x64xf32, #tpu.memory_space<hbm>>, %arg11: memref<7x6400xi32, #tpu.memory_space<vmem>>, %arg12: memref<7x128x64xf32, #tpu.memory_space<vmem>>, %arg13: memref<!tpu.dma_semaphore, #tpu.memory_space<semaphore_mem>>, %arg14: memref<!tpu.dma_semaphore, #tpu.memory_space<semaphore_mem>>) attributes {dimension_semantics = [#tpu.dimension_semantics<core_parallel>, #tpu.dimension_semantics<subcore_parallel>], iteration_bounds = array<i64: 2, 16>, scalar_prefetch = 0 : i64, scratch_operands = 4 : i64, tpu.core_type = #tpu.core_type<sc_vector_subcore>, window_params = [{transform_indices = #map}, {transform_indices = #map}, {transform_indices = #map}, {transform_indices = #map}, {transform_indices = #map}, {transform_indices = #map}, {transform_indices = #map}, {transform_indices = #map}, {transform_indices = #map}]} {
    %mul3A = arith.constant 2 : i32
    %mul3A_0 = arith.muli %arg1, %mul3A : i32
    %add3A = arith.addi %mul3A_0, %arg0 : i32
    %mul3A_1 = arith.constant 6400 : i32
    %mul3A_2 = arith.muli %add3A, %mul3A_1 : i32
    %dma_start3A = arith.constant 0 : i32
    %dma_start3A_3 = tpu.memref_slice %arg2[%dma_start3A, %mul3A_2] : memref<7x204800xi32, #tpu.memory_space<hbm>> -> memref<7x6400xi32, #tpu.memory_space<hbm>>
    %dma_start3A_4 = arith.constant 0 : i32
    %dma_start3A_5 = tpu.memref_slice %arg2[%dma_start3A_4, %mul3A_2] : memref<7x204800xi32, #tpu.memory_space<hbm>> -> memref<7x6400xi32, #tpu.memory_space<hbm>>
    tpu.enqueue_dma source(%dma_start3A_5 : memref<7x6400xi32, #tpu.memory_space<hbm>>) target(%arg11 : memref<7x6400xi32, #tpu.memory_space<vmem>>) target_semaphore(%arg13 : memref<!tpu.dma_semaphore, #tpu.memory_space<semaphore_mem>>)
    %dma_wait3A = arith.constant 0 : i32
    %dma_wait3A_6 = tpu.memref_slice %arg2[%dma_wait3A, %mul3A_2] : memref<7x204800xi32, #tpu.memory_space<hbm>> -> memref<7x6400xi32, #tpu.memory_space<hbm>>
    %dma_wait3A_7 = arith.constant 0 : i32
    %dma_wait3A_8 = tpu.memref_slice %arg2[%dma_wait3A_7, %mul3A_2] : memref<7x204800xi32, #tpu.memory_space<hbm>> -> memref<7x6400xi32, #tpu.memory_space<hbm>>
    tpu.wait_dma2 semaphore(%arg13 : memref<!tpu.dma_semaphore, #tpu.memory_space<semaphore_mem>>) src(%dma_wait3A_8 : memref<7x6400xi32, #tpu.memory_space<hbm>>) dst(%arg11 : memref<7x6400xi32, #tpu.memory_space<vmem>>)
    %scan3A = arith.constant 0 : i32
    %scan3A_9 = arith.constant 0 : i32
    %scan3A_10 = arith.constant 50 : i32
    %scan3A_11 = arith.addi %scan3A_9, %scan3A_10 : i32
    %scan3A_12 = arith.constant 1 : i32
    scf.for %scan3A_29 = %scan3A_9 to %scan3A_11 step %scan3A_12  : i32 {
      %mul3A_30 = arith.constant 128 : i32
      %mul3A_31 = arith.muli %scan3A_29, %mul3A_30 : i32
      %gt3A = arith.constant 0 : i32
      %gt3A_32 = arith.cmpi sgt, %scan3A_29, %gt3A : i32
      %convert_element_type3A = arith.extui %gt3A_32 : i1 to i32
      %cond3A = arith.constant 0 : i32
      %cond3A_33 = arith.cmpi ne, %convert_element_type3A, %cond3A : i32
      scf.if %cond3A_33 {
        %sub3A = arith.constant 1 : i32
        %sub3A_210 = arith.subi %scan3A_29, %sub3A : i32
        %mul3A_211 = arith.constant 128 : i32
        %mul3A_212 = arith.muli %sub3A_210, %mul3A_211 : i32
        %add3A_213 = arith.addi %mul3A_2, %mul3A_212 : i32
        %dma_wait3A_214 = arith.constant 0 : i32
        %dma_wait3A_215 = arith.constant 0 : i32
        %dma_wait3A_216 = arith.constant 0 : i32
        %dma_wait3A_217 = tpu.memref_slice %arg12[%dma_wait3A_214, %dma_wait3A_215, %dma_wait3A_216] : memref<7x128x64xf32, #tpu.memory_space<vmem>> -> memref<1x128x64xf32, #tpu.memory_space<vmem>>
        %dma_wait3A_218 = tpu.memref_squeeze %dma_wait3A_217 : memref<1x128x64xf32, #tpu.memory_space<vmem>> -> memref<128x64xf32, #tpu.memory_space<vmem>>
        %dma_wait3A_219 = arith.constant 0 : i32
        %dma_wait3A_220 = tpu.memref_slice %arg10[%add3A_213, %dma_wait3A_219] : memref<204800x64xf32, #tpu.memory_space<hbm>> -> memref<128x64xf32, #tpu.memory_space<hbm>>
        %dma_wait3A_221 = arith.constant 0 : i32
        %dma_wait3A_222 = tpu.memref_slice %arg10[%add3A_213, %dma_wait3A_221] : memref<204800x64xf32, #tpu.memory_space<hbm>> -> memref<128x64xf32, #tpu.memory_space<hbm>>
        %dma_wait3A_223 = arith.constant 0 : i32
        %dma_wait3A_224 = arith.constant 0 : i32
        %dma_wait3A_225 = tpu.memref_slice %arg12[%dma_wait3A_214, %dma_wait3A_223, %dma_wait3A_224] : memref<7x128x64xf32, #tpu.memory_space<vmem>> -> memref<1x128x64xf32, #tpu.memory_space<vmem>>
        %dma_wait3A_226 = tpu.memref_squeeze %dma_wait3A_225 : memref<1x128x64xf32, #tpu.memory_space<vmem>> -> memref<128x64xf32, #tpu.memory_space<vmem>>
        tpu.wait_dma2 semaphore(%arg14 : memref<!tpu.dma_semaphore, #tpu.memory_space<semaphore_mem>>) src(%dma_wait3A_226 : memref<128x64xf32, #tpu.memory_space<vmem>>) dst(%dma_wait3A_222 : memref<128x64xf32, #tpu.memory_space<hbm>>)
      } else {
      }
      %dma_start3A_34 = arith.constant 0 : i32
      %dma_start3A_35 = arith.constant 0 : i32
      %dma_start3A_36 = arith.constant 0 : i32
      %dma_start3A_37 = arith.constant 0 : i32
      %dma_start3A_38 = tpu.memref_slice %arg12[%dma_start3A_35, %dma_start3A_36, %dma_start3A_37] : memref<7x128x64xf32, #tpu.memory_space<vmem>> -> memref<1x128x64xf32, #tpu.memory_space<vmem>>
      %dma_start3A_39 = tpu.memref_squeeze %dma_start3A_38 : memref<1x128x64xf32, #tpu.memory_space<vmem>> -> memref<128x64xf32, #tpu.memory_space<vmem>>
      %dma_start3A_40 = tpu.memref_slice %arg11[%dma_start3A_34, %mul3A_31] : memref<7x6400xi32, #tpu.memory_space<vmem>> -> memref<1x128xi32, #tpu.memory_space<vmem>>
      %dma_start3A_41 = tpu.memref_squeeze %dma_start3A_40 : memref<1x128xi32, #tpu.memory_space<vmem>> -> memref<128xi32, #tpu.memory_space<vmem>>
      %dma_start3A_42 = arith.constant 0 : i32
      %dma_start3A_43 = arith.constant 0 : i32
      %dma_start3A_44 = tpu.memref_slice %arg3[%dma_start3A_42, %dma_start3A_43] : memref<8226x64xf32, #tpu.memory_space<hbm>> -> memref<8226x64xf32, #tpu.memory_space<hbm>>
      tpu.enqueue_indirect_dma source(%dma_start3A_44 : memref<8226x64xf32, #tpu.memory_space<hbm>>) target(%dma_start3A_39 : memref<128x64xf32, #tpu.memory_space<vmem>>) offsets(%dma_start3A_41 : memref<128xi32, #tpu.memory_space<vmem>>) semaphore(%arg13 : memref<!tpu.dma_semaphore, #tpu.memory_space<semaphore_mem>>)
      %dma_start3A_45 = arith.constant 1 : i32
      %dma_start3A_46 = arith.constant 1 : i32
      %dma_start3A_47 = arith.constant 0 : i32
      %dma_start3A_48 = arith.constant 0 : i32
      %dma_start3A_49 = tpu.memref_slice %arg12[%dma_start3A_46, %dma_start3A_47, %dma_start3A_48] : memref<7x128x64xf32, #tpu.memory_space<vmem>> -> memref<1x128x64xf32, #tpu.memory_space<vmem>>
      %dma_start3A_50 = tpu.memref_squeeze %dma_start3A_49 : memref<1x128x64xf32, #tpu.memory_space<vmem>> -> memref<128x64xf32, #tpu.memory_space<vmem>>
      %dma_start3A_51 = tpu.memref_slice %arg11[%dma_start3A_45, %mul3A_31] : memref<7x6400xi32, #tpu.memory_space<vmem>> -> memref<1x128xi32, #tpu.memory_space<vmem>>
      %dma_start3A_52 = tpu.memref_squeeze %dma_start3A_51 : memref<1x128xi32, #tpu.memory_space<vmem>> -> memref<128xi32, #tpu.memory_space<vmem>>
      %dma_start3A_53 = arith.constant 0 : i32
      %dma_start3A_54 = arith.constant 0 : i32
      %dma_start3A_55 = tpu.memref_slice %arg4[%dma_start3A_53, %dma_start3A_54] : memref<1539x64xf32, #tpu.memory_space<hbm>> -> memref<1539x64xf32, #tpu.memory_space<hbm>>
      tpu.enqueue_indirect_dma source(%dma_start3A_55 : memref<1539x64xf32, #tpu.memory_space<hbm>>) target(%dma_start3A_50 : memref<128x64xf32, #tpu.memory_space<vmem>>) offsets(%dma_start3A_52 : memref<128xi32, #tpu.memory_space<vmem>>) semaphore(%arg13 : memref<!tpu.dma_semaphore, #tpu.memory_space<semaphore_mem>>)
      %dma_start3A_56 = arith.constant 2 : i32
      %dma_start3A_57 = arith.constant 2 : i32
      %dma_start3A_58 = arith.constant 0 : i32
      %dma_start3A_59 = arith.constant 0 : i32
      %dma_start3A_60 = tpu.memref_slice %arg12[%dma_start3A_57, %dma_start3A_58, %dma_start3A_59] : memref<7x128x64xf32, #tpu.memory_space<vmem>> -> memref<1x128x64xf32, #tpu.memory_space<vmem>>
      %dma_start3A_61 = tpu.memref_squeeze %dma_start3A_60 : memref<1x128x64xf32, #tpu.memory_space<vmem>> -> memref<128x64xf32, #tpu.memory_space<vmem>>
      %dma_start3A_62 = tpu.memref_slice %arg11[%dma_start3A_56, %mul3A_31] : memref<7x6400xi32, #tpu.memory_space<vmem>> -> memref<1x128xi32, #tpu.memory_space<vmem>>
      %dma_start3A_63 = tpu.memref_squeeze %dma_start3A_62 : memref<1x128xi32, #tpu.memory_space<vmem>> -> memref<128xi32, #tpu.memory_space<vmem>>
      %dma_start3A_64 = arith.constant 0 : i32
      %dma_start3A_65 = arith.constant 0 : i32
      %dma_start3A_66 = tpu.memref_slice %arg5[%dma_start3A_64, %dma_start3A_65] : memref<9456x64xf32, #tpu.memory_space<hbm>> -> memref<9456x64xf32, #tpu.memory_space<hbm>>
      tpu.enqueue_indirect_dma source(%dma_start3A_66 : memref<9456x64xf32, #tpu.memory_space<hbm>>) target(%dma_start3A_61 : memref<128x64xf32, #tpu.memory_space<vmem>>) offsets(%dma_start3A_63 : memref<128xi32, #tpu.memory_space<vmem>>) semaphore(%arg13 : memref<!tpu.dma_semaphore, #tpu.memory_space<semaphore_mem>>)
      %dma_start3A_67 = arith.constant 3 : i32
      %dma_start3A_68 = arith.constant 3 : i32
      %dma_start3A_69 = arith.constant 0 : i32
      %dma_start3A_70 = arith.constant 0 : i32
      %dma_start3A_71 = tpu.memref_slice %arg12[%dma_start3A_68, %dma_start3A_69, %dma_start3A_70] : memref<7x128x64xf32, #tpu.memory_space<vmem>> -> memref<1x128x64xf32, #tpu.memory_space<vmem>>
      %dma_start3A_72 = tpu.memref_squeeze %dma_start3A_71 : memref<1x128x64xf32, #tpu.memory_space<vmem>> -> memref<128x64xf32, #tpu.memory_space<vmem>>
      %dma_start3A_73 = tpu.memref_slice %arg11[%dma_start3A_67, %mul3A_31] : memref<7x6400xi32, #tpu.memory_space<vmem>> -> memref<1x128xi32, #tpu.memory_space<vmem>>
      %dma_start3A_74 = tpu.memref_squeeze %dma_start3A_73 : memref<1x128xi32, #tpu.memory_space<vmem>> -> memref<128xi32, #tpu.memory_space<vmem>>
      %dma_start3A_75 = arith.constant 0 : i32
      %dma_start3A_76 = arith.constant 0 : i32
      %dma_start3A_77 = tpu.memref_slice %arg6[%dma_start3A_75, %dma_start3A_76] : memref<1001x64xf32, #tpu.memory_space<hbm>> -> memref<1001x64xf32, #tpu.memory_space<hbm>>
      tpu.enqueue_indirect_dma source(%dma_start3A_77 : memref<1001x64xf32, #tpu.memory_space<hbm>>) target(%dma_start3A_72 : memref<128x64xf32, #tpu.memory_space<vmem>>) offsets(%dma_start3A_74 : memref<128xi32, #tpu.memory_space<vmem>>) semaphore(%arg13 : memref<!tpu.dma_semaphore, #tpu.memory_space<semaphore_mem>>)
      %dma_start3A_78 = arith.constant 4 : i32
      %dma_start3A_79 = arith.constant 4 : i32
      %dma_start3A_80 = arith.constant 0 : i32
      %dma_start3A_81 = arith.constant 0 : i32
      %dma_start3A_82 = tpu.memref_slice %arg12[%dma_start3A_79, %dma_start3A_80, %dma_start3A_81] : memref<7x128x64xf32, #tpu.memory_space<vmem>> -> memref<1x128x64xf32, #tpu.memory_space<vmem>>
      %dma_start3A_83 = tpu.memref_squeeze %dma_start3A_82 : memref<1x128x64xf32, #tpu.memory_space<vmem>> -> memref<128x64xf32, #tpu.memory_space<vmem>>
      %dma_start3A_84 = tpu.memref_slice %arg11[%dma_start3A_78, %mul3A_31] : memref<7x6400xi32, #tpu.memory_space<vmem>> -> memref<1x128xi32, #tpu.memory_space<vmem>>
      %dma_start3A_85 = tpu.memref_squeeze %dma_start3A_84 : memref<1x128xi32, #tpu.memory_space<vmem>> -> memref<128xi32, #tpu.memory_space<vmem>>
      %dma_start3A_86 = arith.constant 0 : i32
      %dma_start3A_87 = arith.constant 0 : i32
      %dma_start3A_88 = tpu.memref_slice %arg7[%dma_start3A_86, %dma_start3A_87] : memref<1001x64xf32, #tpu.memory_space<hbm>> -> memref<1001x64xf32, #tpu.memory_space<hbm>>
      tpu.enqueue_indirect_dma source(%dma_start3A_88 : memref<1001x64xf32, #tpu.memory_space<hbm>>) target(%dma_start3A_83 : memref<128x64xf32, #tpu.memory_space<vmem>>) offsets(%dma_start3A_85 : memref<128xi32, #tpu.memory_space<vmem>>) semaphore(%arg13 : memref<!tpu.dma_semaphore, #tpu.memory_space<semaphore_mem>>)
      %dma_start3A_89 = arith.constant 5 : i32
      %dma_start3A_90 = arith.constant 5 : i32
      %dma_start3A_91 = arith.constant 0 : i32
      %dma_start3A_92 = arith.constant 0 : i32
      %dma_start3A_93 = tpu.memref_slice %arg12[%dma_start3A_90, %dma_start3A_91, %dma_start3A_92] : memref<7x128x64xf32, #tpu.memory_space<vmem>> -> memref<1x128x64xf32, #tpu.memory_space<vmem>>
      %dma_start3A_94 = tpu.memref_squeeze %dma_start3A_93 : memref<1x128x64xf32, #tpu.memory_space<vmem>> -> memref<128x64xf32, #tpu.memory_space<vmem>>
      %dma_start3A_95 = tpu.memref_slice %arg11[%dma_start3A_89, %mul3A_31] : memref<7x6400xi32, #tpu.memory_space<vmem>> -> memref<1x128xi32, #tpu.memory_space<vmem>>
      %dma_start3A_96 = tpu.memref_squeeze %dma_start3A_95 : memref<1x128xi32, #tpu.memory_space<vmem>> -> memref<128xi32, #tpu.memory_space<vmem>>
      %dma_start3A_97 = arith.constant 0 : i32
      %dma_start3A_98 = arith.constant 0 : i32
      %dma_start3A_99 = tpu.memref_slice %arg8[%dma_start3A_97, %dma_start3A_98] : memref<1001x64xf32, #tpu.memory_space<hbm>> -> memref<1001x64xf32, #tpu.memory_space<hbm>>
      tpu.enqueue_indirect_dma source(%dma_start3A_99 : memref<1001x64xf32, #tpu.memory_space<hbm>>) target(%dma_start3A_94 : memref<128x64xf32, #tpu.memory_space<vmem>>) offsets(%dma_start3A_96 : memref<128xi32, #tpu.memory_space<vmem>>) semaphore(%arg13 : memref<!tpu.dma_semaphore, #tpu.memory_space<semaphore_mem>>)
      %dma_start3A_100 = arith.constant 6 : i32
      %dma_start3A_101 = arith.constant 6 : i32
      %dma_start3A_102 = arith.constant 0 : i32
      %dma_start3A_103 = arith.constant 0 : i32
      %dma_start3A_104 = tpu.memref_slice %arg12[%dma_start3A_101, %dma_start3A_102, %dma_start3A_103] : memref<7x128x64xf32, #tpu.memory_space<vmem>> -> memref<1x128x64xf32, #tpu.memory_space<vmem>>
      %dma_start3A_105 = tpu.memref_squeeze %dma_start3A_104 : memref<1x128x64xf32, #tpu.memory_space<vmem>> -> memref<128x64xf32, #tpu.memory_space<vmem>>
      %dma_start3A_106 = tpu.memref_slice %arg11[%dma_start3A_100, %mul3A_31] : memref<7x6400xi32, #tpu.memory_space<vmem>> -> memref<1x128xi32, #tpu.memory_space<vmem>>
      %dma_start3A_107 = tpu.memref_squeeze %dma_start3A_106 : memref<1x128xi32, #tpu.memory_space<vmem>> -> memref<128xi32, #tpu.memory_space<vmem>>
      %dma_start3A_108 = arith.constant 0 : i32
      %dma_start3A_109 = arith.constant 0 : i32
      %dma_start3A_110 = tpu.memref_slice %arg9[%dma_start3A_108, %dma_start3A_109] : memref<913001x64xf32, #tpu.memory_space<hbm>> -> memref<913001x64xf32, #tpu.memory_space<hbm>>
      tpu.enqueue_indirect_dma source(%dma_start3A_110 : memref<913001x64xf32, #tpu.memory_space<hbm>>) target(%dma_start3A_105 : memref<128x64xf32, #tpu.memory_space<vmem>>) offsets(%dma_start3A_107 : memref<128xi32, #tpu.memory_space<vmem>>) semaphore(%arg13 : memref<!tpu.dma_semaphore, #tpu.memory_space<semaphore_mem>>)
      %dma_wait3A_111 = arith.constant 0 : i32
      %dma_wait3A_112 = arith.constant 0 : i32
      %dma_wait3A_113 = arith.constant 0 : i32
      %dma_wait3A_114 = arith.constant 0 : i32
      %dma_wait3A_115 = tpu.memref_slice %arg12[%dma_wait3A_112, %dma_wait3A_113, %dma_wait3A_114] : memref<7x128x64xf32, #tpu.memory_space<vmem>> -> memref<1x128x64xf32, #tpu.memory_space<vmem>>
      %dma_wait3A_116 = tpu.memref_squeeze %dma_wait3A_115 : memref<1x128x64xf32, #tpu.memory_space<vmem>> -> memref<128x64xf32, #tpu.memory_space<vmem>>
      %dma_wait3A_117 = tpu.memref_slice %arg11[%dma_wait3A_111, %mul3A_31] : memref<7x6400xi32, #tpu.memory_space<vmem>> -> memref<1x128xi32, #tpu.memory_space<vmem>>
      %dma_wait3A_118 = tpu.memref_squeeze %dma_wait3A_117 : memref<1x128xi32, #tpu.memory_space<vmem>> -> memref<128xi32, #tpu.memory_space<vmem>>
      %dma_wait3A_119 = arith.constant 0 : i32
      %dma_wait3A_120 = arith.constant 0 : i32
      %dma_wait3A_121 = tpu.memref_slice %arg3[%dma_wait3A_119, %dma_wait3A_120] : memref<8226x64xf32, #tpu.memory_space<hbm>> -> memref<8226x64xf32, #tpu.memory_space<hbm>>
      tpu.wait_indirect_dma semaphore(%arg13 : memref<!tpu.dma_semaphore, #tpu.memory_space<semaphore_mem>>) src(%dma_wait3A_121 : memref<8226x64xf32, #tpu.memory_space<hbm>>) dst(%dma_wait3A_116 : memref<128x64xf32, #tpu.memory_space<vmem>>)
      %dma_wait3A_122 = arith.constant 1 : i32
      %dma_wait3A_123 = arith.constant 1 : i32
      %dma_wait3A_124 = arith.constant 0 : i32
      %dma_wait3A_125 = arith.constant 0 : i32
      %dma_wait3A_126 = tpu.memref_slice %arg12[%dma_wait3A_123, %dma_wait3A_124, %dma_wait3A_125] : memref<7x128x64xf32, #tpu.memory_space<vmem>> -> memref<1x128x64xf32, #tpu.memory_space<vmem>>
      %dma_wait3A_127 = tpu.memref_squeeze %dma_wait3A_126 : memref<1x128x64xf32, #tpu.memory_space<vmem>> -> memref<128x64xf32, #tpu.memory_space<vmem>>
      %dma_wait3A_128 = tpu.memref_slice %arg11[%dma_wait3A_122, %mul3A_31] : memref<7x6400xi32, #tpu.memory_space<vmem>> -> memref<1x128xi32, #tpu.memory_space<vmem>>
      %dma_wait3A_129 = tpu.memref_squeeze %dma_wait3A_128 : memref<1x128xi32, #tpu.memory_space<vmem>> -> memref<128xi32, #tpu.memory_space<vmem>>
      %dma_wait3A_130 = arith.constant 0 : i32
      %dma_wait3A_131 = arith.constant 0 : i32
      %dma_wait3A_132 = tpu.memref_slice %arg4[%dma_wait3A_130, %dma_wait3A_131] : memref<1539x64xf32, #tpu.memory_space<hbm>> -> memref<1539x64xf32, #tpu.memory_space<hbm>>
      tpu.wait_indirect_dma semaphore(%arg13 : memref<!tpu.dma_semaphore, #tpu.memory_space<semaphore_mem>>) src(%dma_wait3A_132 : memref<1539x64xf32, #tpu.memory_space<hbm>>) dst(%dma_wait3A_127 : memref<128x64xf32, #tpu.memory_space<vmem>>)
      %dma_wait3A_133 = arith.constant 2 : i32
      %dma_wait3A_134 = arith.constant 2 : i32
      %dma_wait3A_135 = arith.constant 0 : i32
      %dma_wait3A_136 = arith.constant 0 : i32
      %dma_wait3A_137 = tpu.memref_slice %arg12[%dma_wait3A_134, %dma_wait3A_135, %dma_wait3A_136] : memref<7x128x64xf32, #tpu.memory_space<vmem>> -> memref<1x128x64xf32, #tpu.memory_space<vmem>>
      %dma_wait3A_138 = tpu.memref_squeeze %dma_wait3A_137 : memref<1x128x64xf32, #tpu.memory_space<vmem>> -> memref<128x64xf32, #tpu.memory_space<vmem>>
      %dma_wait3A_139 = tpu.memref_slice %arg11[%dma_wait3A_133, %mul3A_31] : memref<7x6400xi32, #tpu.memory_space<vmem>> -> memref<1x128xi32, #tpu.memory_space<vmem>>
      %dma_wait3A_140 = tpu.memref_squeeze %dma_wait3A_139 : memref<1x128xi32, #tpu.memory_space<vmem>> -> memref<128xi32, #tpu.memory_space<vmem>>
      %dma_wait3A_141 = arith.constant 0 : i32
      %dma_wait3A_142 = arith.constant 0 : i32
      %dma_wait3A_143 = tpu.memref_slice %arg5[%dma_wait3A_141, %dma_wait3A_142] : memref<9456x64xf32, #tpu.memory_space<hbm>> -> memref<9456x64xf32, #tpu.memory_space<hbm>>
      tpu.wait_indirect_dma semaphore(%arg13 : memref<!tpu.dma_semaphore, #tpu.memory_space<semaphore_mem>>) src(%dma_wait3A_143 : memref<9456x64xf32, #tpu.memory_space<hbm>>) dst(%dma_wait3A_138 : memref<128x64xf32, #tpu.memory_space<vmem>>)
      %dma_wait3A_144 = arith.constant 3 : i32
      %dma_wait3A_145 = arith.constant 3 : i32
      %dma_wait3A_146 = arith.constant 0 : i32
      %dma_wait3A_147 = arith.constant 0 : i32
      %dma_wait3A_148 = tpu.memref_slice %arg12[%dma_wait3A_145, %dma_wait3A_146, %dma_wait3A_147] : memref<7x128x64xf32, #tpu.memory_space<vmem>> -> memref<1x128x64xf32, #tpu.memory_space<vmem>>
      %dma_wait3A_149 = tpu.memref_squeeze %dma_wait3A_148 : memref<1x128x64xf32, #tpu.memory_space<vmem>> -> memref<128x64xf32, #tpu.memory_space<vmem>>
      %dma_wait3A_150 = tpu.memref_slice %arg11[%dma_wait3A_144, %mul3A_31] : memref<7x6400xi32, #tpu.memory_space<vmem>> -> memref<1x128xi32, #tpu.memory_space<vmem>>
      %dma_wait3A_151 = tpu.memref_squeeze %dma_wait3A_150 : memref<1x128xi32, #tpu.memory_space<vmem>> -> memref<128xi32, #tpu.memory_space<vmem>>
      %dma_wait3A_152 = arith.constant 0 : i32
      %dma_wait3A_153 = arith.constant 0 : i32
      %dma_wait3A_154 = tpu.memref_slice %arg6[%dma_wait3A_152, %dma_wait3A_153] : memref<1001x64xf32, #tpu.memory_space<hbm>> -> memref<1001x64xf32, #tpu.memory_space<hbm>>
      tpu.wait_indirect_dma semaphore(%arg13 : memref<!tpu.dma_semaphore, #tpu.memory_space<semaphore_mem>>) src(%dma_wait3A_154 : memref<1001x64xf32, #tpu.memory_space<hbm>>) dst(%dma_wait3A_149 : memref<128x64xf32, #tpu.memory_space<vmem>>)
      %dma_wait3A_155 = arith.constant 4 : i32
      %dma_wait3A_156 = arith.constant 4 : i32
      %dma_wait3A_157 = arith.constant 0 : i32
      %dma_wait3A_158 = arith.constant 0 : i32
      %dma_wait3A_159 = tpu.memref_slice %arg12[%dma_wait3A_156, %dma_wait3A_157, %dma_wait3A_158] : memref<7x128x64xf32, #tpu.memory_space<vmem>> -> memref<1x128x64xf32, #tpu.memory_space<vmem>>
      %dma_wait3A_160 = tpu.memref_squeeze %dma_wait3A_159 : memref<1x128x64xf32, #tpu.memory_space<vmem>> -> memref<128x64xf32, #tpu.memory_space<vmem>>
      %dma_wait3A_161 = tpu.memref_slice %arg11[%dma_wait3A_155, %mul3A_31] : memref<7x6400xi32, #tpu.memory_space<vmem>> -> memref<1x128xi32, #tpu.memory_space<vmem>>
      %dma_wait3A_162 = tpu.memref_squeeze %dma_wait3A_161 : memref<1x128xi32, #tpu.memory_space<vmem>> -> memref<128xi32, #tpu.memory_space<vmem>>
      %dma_wait3A_163 = arith.constant 0 : i32
      %dma_wait3A_164 = arith.constant 0 : i32
      %dma_wait3A_165 = tpu.memref_slice %arg7[%dma_wait3A_163, %dma_wait3A_164] : memref<1001x64xf32, #tpu.memory_space<hbm>> -> memref<1001x64xf32, #tpu.memory_space<hbm>>
      tpu.wait_indirect_dma semaphore(%arg13 : memref<!tpu.dma_semaphore, #tpu.memory_space<semaphore_mem>>) src(%dma_wait3A_165 : memref<1001x64xf32, #tpu.memory_space<hbm>>) dst(%dma_wait3A_160 : memref<128x64xf32, #tpu.memory_space<vmem>>)
      %dma_wait3A_166 = arith.constant 5 : i32
      %dma_wait3A_167 = arith.constant 5 : i32
      %dma_wait3A_168 = arith.constant 0 : i32
      %dma_wait3A_169 = arith.constant 0 : i32
      %dma_wait3A_170 = tpu.memref_slice %arg12[%dma_wait3A_167, %dma_wait3A_168, %dma_wait3A_169] : memref<7x128x64xf32, #tpu.memory_space<vmem>> -> memref<1x128x64xf32, #tpu.memory_space<vmem>>
      %dma_wait3A_171 = tpu.memref_squeeze %dma_wait3A_170 : memref<1x128x64xf32, #tpu.memory_space<vmem>> -> memref<128x64xf32, #tpu.memory_space<vmem>>
      %dma_wait3A_172 = tpu.memref_slice %arg11[%dma_wait3A_166, %mul3A_31] : memref<7x6400xi32, #tpu.memory_space<vmem>> -> memref<1x128xi32, #tpu.memory_space<vmem>>
      %dma_wait3A_173 = tpu.memref_squeeze %dma_wait3A_172 : memref<1x128xi32, #tpu.memory_space<vmem>> -> memref<128xi32, #tpu.memory_space<vmem>>
      %dma_wait3A_174 = arith.constant 0 : i32
      %dma_wait3A_175 = arith.constant 0 : i32
      %dma_wait3A_176 = tpu.memref_slice %arg8[%dma_wait3A_174, %dma_wait3A_175] : memref<1001x64xf32, #tpu.memory_space<hbm>> -> memref<1001x64xf32, #tpu.memory_space<hbm>>
      tpu.wait_indirect_dma semaphore(%arg13 : memref<!tpu.dma_semaphore, #tpu.memory_space<semaphore_mem>>) src(%dma_wait3A_176 : memref<1001x64xf32, #tpu.memory_space<hbm>>) dst(%dma_wait3A_171 : memref<128x64xf32, #tpu.memory_space<vmem>>)
      %dma_wait3A_177 = arith.constant 6 : i32
      %dma_wait3A_178 = arith.constant 6 : i32
      %dma_wait3A_179 = arith.constant 0 : i32
      %dma_wait3A_180 = arith.constant 0 : i32
      %dma_wait3A_181 = tpu.memref_slice %arg12[%dma_wait3A_178, %dma_wait3A_179, %dma_wait3A_180] : memref<7x128x64xf32, #tpu.memory_space<vmem>> -> memref<1x128x64xf32, #tpu.memory_space<vmem>>
      %dma_wait3A_182 = tpu.memref_squeeze %dma_wait3A_181 : memref<1x128x64xf32, #tpu.memory_space<vmem>> -> memref<128x64xf32, #tpu.memory_space<vmem>>
      %dma_wait3A_183 = tpu.memref_slice %arg11[%dma_wait3A_177, %mul3A_31] : memref<7x6400xi32, #tpu.memory_space<vmem>> -> memref<1x128xi32, #tpu.memory_space<vmem>>
      %dma_wait3A_184 = tpu.memref_squeeze %dma_wait3A_183 : memref<1x128xi32, #tpu.memory_space<vmem>> -> memref<128xi32, #tpu.memory_space<vmem>>
      %dma_wait3A_185 = arith.constant 0 : i32
      %dma_wait3A_186 = arith.constant 0 : i32
      %dma_wait3A_187 = tpu.memref_slice %arg9[%dma_wait3A_185, %dma_wait3A_186] : memref<913001x64xf32, #tpu.memory_space<hbm>> -> memref<913001x64xf32, #tpu.memory_space<hbm>>
      tpu.wait_indirect_dma semaphore(%arg13 : memref<!tpu.dma_semaphore, #tpu.memory_space<semaphore_mem>>) src(%dma_wait3A_187 : memref<913001x64xf32, #tpu.memory_space<hbm>>) dst(%dma_wait3A_182 : memref<128x64xf32, #tpu.memory_space<vmem>>)
      %scan3A_188 = arith.constant 0 : i32
      %scan3A_189 = arith.constant 0 : i32
      %scan3A_190 = arith.constant 128 : i32
      %scan3A_191 = arith.addi %scan3A_189, %scan3A_190 : i32
      %scan3A_192 = arith.constant 4 : i32
      scf.for %scan3A_210 = %scan3A_189 to %scan3A_191 step %scan3A_192  : i32 {
        %get3A = arith.constant 0 : i32
        %get3A_211 = arith.index_cast %get3A : i32 to index
        %get3A_212 = arith.index_cast %scan3A_210 : i32 to index
        %get3A_213 = arith.constant 0 : index
        %get3A_214 = tpu.vector_load %arg12[%get3A_211, %get3A_212, %get3A_213] {strides = array<i32>} : memref<7x128x64xf32, #tpu.memory_space<vmem>>, vector<1x1x16xf32>,
        %get3A_215 = vector.shape_cast %get3A_214 : vector<1x1x16xf32> to vector<16xf32>
        %get3A_216 = arith.constant 1 : i32
        %get3A_217 = arith.index_cast %get3A_216 : i32 to index
        %get3A_218 = arith.index_cast %scan3A_210 : i32 to index
        %get3A_219 = arith.constant 0 : index
        %get3A_220 = tpu.vector_load %arg12[%get3A_217, %get3A_218, %get3A_219] {strides = array<i32>} : memref<7x128x64xf32, #tpu.memory_space<vmem>>, vector<1x1x16xf32>,
        %get3A_221 = vector.shape_cast %get3A_220 : vector<1x1x16xf32> to vector<16xf32>
        %add3A_222 = arith.addf %get3A_215, %get3A_221 : vector<16xf32>
        %get3A_223 = arith.constant 2 : i32
        %get3A_224 = arith.index_cast %get3A_223 : i32 to index
        %get3A_225 = arith.index_cast %scan3A_210 : i32 to index
        %get3A_226 = arith.constant 0 : index
        %get3A_227 = tpu.vector_load %arg12[%get3A_224, %get3A_225, %get3A_226] {strides = array<i32>} : memref<7x128x64xf32, #tpu.memory_space<vmem>>, vector<1x1x16xf32>,
        %get3A_228 = vector.shape_cast %get3A_227 : vector<1x1x16xf32> to vector<16xf32>
        %add3A_229 = arith.addf %add3A_222, %get3A_228 : vector<16xf32>
        %get3A_230 = arith.constant 3 : i32
        %get3A_231 = arith.index_cast %get3A_230 : i32 to index
        %get3A_232 = arith.index_cast %scan3A_210 : i32 to index
        %get3A_233 = arith.constant 0 : index
        %get3A_234 = tpu.vector_load %arg12[%get3A_231, %get3A_232, %get3A_233] {strides = array<i32>} : memref<7x128x64xf32, #tpu.memory_space<vmem>>, vector<1x1x16xf32>,
        %get3A_235 = vector.shape_cast %get3A_234 : vector<1x1x16xf32> to vector<16xf32>
        %add3A_236 = arith.addf %add3A_229, %get3A_235 : vector<16xf32>
        %get3A_237 = arith.constant 4 : i32
        %get3A_238 = arith.index_cast %get3A_237 : i32 to index
        %get3A_239 = arith.index_cast %scan3A_210 : i32 to index
        %get3A_240 = arith.constant 0 : index
        %get3A_241 = tpu.vector_load %arg12[%get3A_238, %get3A_239, %get3A_240] {strides = array<i32>} : memref<7x128x64xf32, #tpu.memory_space<vmem>>, vector<1x1x16xf32>,
        %get3A_242 = vector.shape_cast %get3A_241 : vector<1x1x16xf32> to vector<16xf32>
        %add3A_243 = arith.addf %add3A_236, %get3A_242 : vector<16xf32>
        %get3A_244 = arith.constant 5 : i32
        %get3A_245 = arith.index_cast %get3A_244 : i32 to index
        %get3A_246 = arith.index_cast %scan3A_210 : i32 to index
        %get3A_247 = arith.constant 0 : index
        %get3A_248 = tpu.vector_load %arg12[%get3A_245, %get3A_246, %get3A_247] {strides = array<i32>} : memref<7x128x64xf32, #tpu.memory_space<vmem>>, vector<1x1x16xf32>,
        %get3A_249 = vector.shape_cast %get3A_248 : vector<1x1x16xf32> to vector<16xf32>
        %add3A_250 = arith.addf %add3A_243, %get3A_249 : vector<16xf32>
        %get3A_251 = arith.constant 6 : i32
        %get3A_252 = arith.index_cast %get3A_251 : i32 to index
        %get3A_253 = arith.index_cast %scan3A_210 : i32 to index
        %get3A_254 = arith.constant 0 : index
        %get3A_255 = tpu.vector_load %arg12[%get3A_252, %get3A_253, %get3A_254] {strides = array<i32>} : memref<7x128x64xf32, #tpu.memory_space<vmem>>, vector<1x1x16xf32>,
        %get3A_256 = vector.shape_cast %get3A_255 : vector<1x1x16xf32> to vector<16xf32>
        %add3A_257 = arith.addf %add3A_250, %get3A_256 : vector<16xf32>
        %swap3A = arith.constant 0 : i32
        %swap3A_258 = arith.index_cast %swap3A : i32 to index
        %swap3A_259 = arith.index_cast %scan3A_210 : i32 to index
        %swap3A_260 = arith.constant 0 : index
        %swap3A_261 = tpu.vector_load %arg12[%swap3A_258, %swap3A_259, %swap3A_260] {strides = array<i32>} : memref<7x128x64xf32, #tpu.memory_space<vmem>>, vector<1x1x16xf32>,
        %swap3A_262 = vector.shape_cast %swap3A_261 : vector<1x1x16xf32> to vector<16xf32>
        %swap3A_263 = vector.shape_cast %add3A_257 : vector<16xf32> to vector<1x1x16xf32>
        tpu.vector_store %arg12[%swap3A_258, %swap3A_259, %swap3A_260], %swap3A_263 {strides = array<i32>} : memref<7x128x64xf32, #tpu.memory_space<vmem>>, vector<1x1x16xf32>,
        %get3A_264 = arith.constant 0 : i32
        %get3A_265 = arith.index_cast %get3A_264 : i32 to index
        %get3A_266 = arith.index_cast %scan3A_210 : i32 to index
        %get3A_267 = arith.constant 16 : index
        %get3A_268 = tpu.vector_load %arg12[%get3A_265, %get3A_266, %get3A_267] {strides = array<i32>} : memref<7x128x64xf32, #tpu.memory_space<vmem>>, vector<1x1x16xf32>,
        %get3A_269 = vector.shape_cast %get3A_268 : vector<1x1x16xf32> to vector<16xf32>
        %get3A_270 = arith.constant 1 : i32
        %get3A_271 = arith.index_cast %get3A_270 : i32 to index
        %get3A_272 = arith.index_cast %scan3A_210 : i32 to index
        %get3A_273 = arith.constant 16 : index
        %get3A_274 = tpu.vector_load %arg12[%get3A_271, %get3A_272, %get3A_273] {strides = array<i32>} : memref<7x128x64xf32, #tpu.memory_space<vmem>>, vector<1x1x16xf32>,
        %get3A_275 = vector.shape_cast %get3A_274 : vector<1x1x16xf32> to vector<16xf32>
        %add3A_276 = arith.addf %get3A_269, %get3A_275 : vector<16xf32>
        %get3A_277 = arith.constant 2 : i32
        %get3A_278 = arith.index_cast %get3A_277 : i32 to index
        %get3A_279 = arith.index_cast %scan3A_210 : i32 to index
        %get3A_280 = arith.constant 16 : index
        %get3A_281 = tpu.vector_load %arg12[%get3A_278, %get3A_279, %get3A_280] {strides = array<i32>} : memref<7x128x64xf32, #tpu.memory_space<vmem>>, vector<1x1x16xf32>,
        %get3A_282 = vector.shape_cast %get3A_281 : vector<1x1x16xf32> to vector<16xf32>
        %add3A_283 = arith.addf %add3A_276, %get3A_282 : vector<16xf32>
        %get3A_284 = arith.constant 3 : i32
        %get3A_285 = arith.index_cast %get3A_284 : i32 to index
        %get3A_286 = arith.index_cast %scan3A_210 : i32 to index
        %get3A_287 = arith.constant 16 : index
        %get3A_288 = tpu.vector_load %arg12[%get3A_285, %get3A_286, %get3A_287] {strides = array<i32>} : memref<7x128x64xf32, #tpu.memory_space<vmem>>, vector<1x1x16xf32>,
        %get3A_289 = vector.shape_cast %get3A_288 : vector<1x1x16xf32> to vector<16xf32>
        %add3A_290 = arith.addf %add3A_283, %get3A_289 : vector<16xf32>
        %get3A_291 = arith.constant 4 : i32
        %get3A_292 = arith.index_cast %get3A_291 : i32 to index
        %get3A_293 = arith.index_cast %scan3A_210 : i32 to index
        %get3A_294 = arith.constant 16 : index
        %get3A_295 = tpu.vector_load %arg12[%get3A_292, %get3A_293, %get3A_294] {strides = array<i32>} : memref<7x128x64xf32, #tpu.memory_space<vmem>>, vector<1x1x16xf32>,
        %get3A_296 = vector.shape_cast %get3A_295 : vector<1x1x16xf32> to vector<16xf32>
        %add3A_297 = arith.addf %add3A_290, %get3A_296 : vector<16xf32>
        %get3A_298 = arith.constant 5 : i32
        %get3A_299 = arith.index_cast %get3A_298 : i32 to index
        %get3A_300 = arith.index_cast %scan3A_210 : i32 to index
        %get3A_301 = arith.constant 16 : index
        %get3A_302 = tpu.vector_load %arg12[%get3A_299, %get3A_300, %get3A_301] {strides = array<i32>} : memref<7x128x64xf32, #tpu.memory_space<vmem>>, vector<1x1x16xf32>,
        %get3A_303 = vector.shape_cast %get3A_302 : vector<1x1x16xf32> to vector<16xf32>
        %add3A_304 = arith.addf %add3A_297, %get3A_303 : vector<16xf32>
        %get3A_305 = arith.constant 6 : i32
        %get3A_306 = arith.index_cast %get3A_305 : i32 to index
        %get3A_307 = arith.index_cast %scan3A_210 : i32 to index
        %get3A_308 = arith.constant 16 : index
        %get3A_309 = tpu.vector_load %arg12[%get3A_306, %get3A_307, %get3A_308] {strides = array<i32>} : memref<7x128x64xf32, #tpu.memory_space<vmem>>, vector<1x1x16xf32>,
        %get3A_310 = vector.shape_cast %get3A_309 : vector<1x1x16xf32> to vector<16xf32>
        %add3A_311 = arith.addf %add3A_304, %get3A_310 : vector<16xf32>
        %swap3A_312 = arith.constant 0 : i32
        %swap3A_313 = arith.index_cast %swap3A_312 : i32 to index
        %swap3A_314 = arith.index_cast %scan3A_210 : i32 to index
        %swap3A_315 = arith.constant 16 : index
        %swap3A_316 = tpu.vector_load %arg12[%swap3A_313, %swap3A_314, %swap3A_315] {strides = array<i32>} : memref<7x128x64xf32, #tpu.memory_space<vmem>>, vector<1x1x16xf32>,
        %swap3A_317 = vector.shape_cast %swap3A_316 : vector<1x1x16xf32> to vector<16xf32>
        %swap3A_318 = vector.shape_cast %add3A_311 : vector<16xf32> to vector<1x1x16xf32>
        tpu.vector_store %arg12[%swap3A_313, %swap3A_314, %swap3A_315], %swap3A_318 {strides = array<i32>} : memref<7x128x64xf32, #tpu.memory_space<vmem>>, vector<1x1x16xf32>,
        %get3A_319 = arith.constant 0 : i32
        %get3A_320 = arith.index_cast %get3A_319 : i32 to index
        %get3A_321 = arith.index_cast %scan3A_210 : i32 to index
        %get3A_322 = arith.constant 32 : index
        %get3A_323 = tpu.vector_load %arg12[%get3A_320, %get3A_321, %get3A_322] {strides = array<i32>} : memref<7x128x64xf32, #tpu.memory_space<vmem>>, vector<1x1x16xf32>,
        %get3A_324 = vector.shape_cast %get3A_323 : vector<1x1x16xf32> to vector<16xf32>
        %get3A_325 = arith.constant 1 : i32
        %get3A_326 = arith.index_cast %get3A_325 : i32 to index
        %get3A_327 = arith.index_cast %scan3A_210 : i32 to index
        %get3A_328 = arith.constant 32 : index
        %get3A_329 = tpu.vector_load %arg12[%get3A_326, %get3A_327, %get3A_328] {strides = array<i32>} : memref<7x128x64xf32, #tpu.memory_space<vmem>>, vector<1x1x16xf32>,
        %get3A_330 = vector.shape_cast %get3A_329 : vector<1x1x16xf32> to vector<16xf32>
        %add3A_331 = arith.addf %get3A_324, %get3A_330 : vector<16xf32>
        %get3A_332 = arith.constant 2 : i32
        %get3A_333 = arith.index_cast %get3A_332 : i32 to index
        %get3A_334 = arith.index_cast %scan3A_210 : i32 to index
        %get3A_335 = arith.constant 32 : index
        %get3A_336 = tpu.vector_load %arg12[%get3A_333, %get3A_334, %get3A_335] {strides = array<i32>} : memref<7x128x64xf32, #tpu.memory_space<vmem>>, vector<1x1x16xf32>,
        %get3A_337 = vector.shape_cast %get3A_336 : vector<1x1x16xf32> to vector<16xf32>
        %add3A_338 = arith.addf %add3A_331, %get3A_337 : vector<16xf32>
        %get3A_339 = arith.constant 3 : i32
        %get3A_340 = arith.index_cast %get3A_339 : i32 to index
        %get3A_341 = arith.index_cast %scan3A_210 : i32 to index
        %get3A_342 = arith.constant 32 : index
        %get3A_343 = tpu.vector_load %arg12[%get3A_340, %get3A_341, %get3A_342] {strides = array<i32>} : memref<7x128x64xf32, #tpu.memory_space<vmem>>, vector<1x1x16xf32>,
        %get3A_344 = vector.shape_cast %get3A_343 : vector<1x1x16xf32> to vector<16xf32>
        %add3A_345 = arith.addf %add3A_338, %get3A_344 : vector<16xf32>
        %get3A_346 = arith.constant 4 : i32
        %get3A_347 = arith.index_cast %get3A_346 : i32 to index
        %get3A_348 = arith.index_cast %scan3A_210 : i32 to index
        %get3A_349 = arith.constant 32 : index
        %get3A_350 = tpu.vector_load %arg12[%get3A_347, %get3A_348, %get3A_349] {strides = array<i32>} : memref<7x128x64xf32, #tpu.memory_space<vmem>>, vector<1x1x16xf32>,
        %get3A_351 = vector.shape_cast %get3A_350 : vector<1x1x16xf32> to vector<16xf32>
        %add3A_352 = arith.addf %add3A_345, %get3A_351 : vector<16xf32>
        %get3A_353 = arith.constant 5 : i32
        %get3A_354 = arith.index_cast %get3A_353 : i32 to index
        %get3A_355 = arith.index_cast %scan3A_210 : i32 to index
        %get3A_356 = arith.constant 32 : index
        %get3A_357 = tpu.vector_load %arg12[%get3A_354, %get3A_355, %get3A_356] {strides = array<i32>} : memref<7x128x64xf32, #tpu.memory_space<vmem>>, vector<1x1x16xf32>,
        %get3A_358 = vector.shape_cast %get3A_357 : vector<1x1x16xf32> to vector<16xf32>
        %add3A_359 = arith.addf %add3A_352, %get3A_358 : vector<16xf32>
        %get3A_360 = arith.constant 6 : i32
        %get3A_361 = arith.index_cast %get3A_360 : i32 to index
        %get3A_362 = arith.index_cast %scan3A_210 : i32 to index
        %get3A_363 = arith.constant 32 : index
        %get3A_364 = tpu.vector_load %arg12[%get3A_361, %get3A_362, %get3A_363] {strides = array<i32>} : memref<7x128x64xf32, #tpu.memory_space<vmem>>, vector<1x1x16xf32>,
        %get3A_365 = vector.shape_cast %get3A_364 : vector<1x1x16xf32> to vector<16xf32>
        %add3A_366 = arith.addf %add3A_359, %get3A_365 : vector<16xf32>
        %swap3A_367 = arith.constant 0 : i32
        %swap3A_368 = arith.index_cast %swap3A_367 : i32 to index
        %swap3A_369 = arith.index_cast %scan3A_210 : i32 to index
        %swap3A_370 = arith.constant 32 : index
        %swap3A_371 = tpu.vector_load %arg12[%swap3A_368, %swap3A_369, %swap3A_370] {strides = array<i32>} : memref<7x128x64xf32, #tpu.memory_space<vmem>>, vector<1x1x16xf32>,
        %swap3A_372 = vector.shape_cast %swap3A_371 : vector<1x1x16xf32> to vector<16xf32>
        %swap3A_373 = vector.shape_cast %add3A_366 : vector<16xf32> to vector<1x1x16xf32>
        tpu.vector_store %arg12[%swap3A_368, %swap3A_369, %swap3A_370], %swap3A_373 {strides = array<i32>} : memref<7x128x64xf32, #tpu.memory_space<vmem>>, vector<1x1x16xf32>,
        %get3A_374 = arith.constant 0 : i32
        %get3A_375 = arith.index_cast %get3A_374 : i32 to index
        %get3A_376 = arith.index_cast %scan3A_210 : i32 to index
        %get3A_377 = arith.constant 48 : index
        %get3A_378 = tpu.vector_load %arg12[%get3A_375, %get3A_376, %get3A_377] {strides = array<i32>} : memref<7x128x64xf32, #tpu.memory_space<vmem>>, vector<1x1x16xf32>,
        %get3A_379 = vector.shape_cast %get3A_378 : vector<1x1x16xf32> to vector<16xf32>
        %get3A_380 = arith.constant 1 : i32
        %get3A_381 = arith.index_cast %get3A_380 : i32 to index
        %get3A_382 = arith.index_cast %scan3A_210 : i32 to index
        %get3A_383 = arith.constant 48 : index
        %get3A_384 = tpu.vector_load %arg12[%get3A_381, %get3A_382, %get3A_383] {strides = array<i32>} : memref<7x128x64xf32, #tpu.memory_space<vmem>>, vector<1x1x16xf32>,
        %get3A_385 = vector.shape_cast %get3A_384 : vector<1x1x16xf32> to vector<16xf32>
        %add3A_386 = arith.addf %get3A_379, %get3A_385 : vector<16xf32>
        %get3A_387 = arith.constant 2 : i32
        %get3A_388 = arith.index_cast %get3A_387 : i32 to index
        %get3A_389 = arith.index_cast %scan3A_210 : i32 to index
        %get3A_390 = arith.constant 48 : index
        %get3A_391 = tpu.vector_load %arg12[%get3A_388, %get3A_389, %get3A_390] {strides = array<i32>} : memref<7x128x64xf32, #tpu.memory_space<vmem>>, vector<1x1x16xf32>,
        %get3A_392 = vector.shape_cast %get3A_391 : vector<1x1x16xf32> to vector<16xf32>
        %add3A_393 = arith.addf %add3A_386, %get3A_392 : vector<16xf32>
        %get3A_394 = arith.constant 3 : i32
        %get3A_395 = arith.index_cast %get3A_394 : i32 to index
        %get3A_396 = arith.index_cast %scan3A_210 : i32 to index
        %get3A_397 = arith.constant 48 : index
        %get3A_398 = tpu.vector_load %arg12[%get3A_395, %get3A_396, %get3A_397] {strides = array<i32>} : memref<7x128x64xf32, #tpu.memory_space<vmem>>, vector<1x1x16xf32>,
        %get3A_399 = vector.shape_cast %get3A_398 : vector<1x1x16xf32> to vector<16xf32>
        %add3A_400 = arith.addf %add3A_393, %get3A_399 : vector<16xf32>
        %get3A_401 = arith.constant 4 : i32
        %get3A_402 = arith.index_cast %get3A_401 : i32 to index
        %get3A_403 = arith.index_cast %scan3A_210 : i32 to index
        %get3A_404 = arith.constant 48 : index
        %get3A_405 = tpu.vector_load %arg12[%get3A_402, %get3A_403, %get3A_404] {strides = array<i32>} : memref<7x128x64xf32, #tpu.memory_space<vmem>>, vector<1x1x16xf32>,
        %get3A_406 = vector.shape_cast %get3A_405 : vector<1x1x16xf32> to vector<16xf32>
        %add3A_407 = arith.addf %add3A_400, %get3A_406 : vector<16xf32>
        %get3A_408 = arith.constant 5 : i32
        %get3A_409 = arith.index_cast %get3A_408 : i32 to index
        %get3A_410 = arith.index_cast %scan3A_210 : i32 to index
        %get3A_411 = arith.constant 48 : index
        %get3A_412 = tpu.vector_load %arg12[%get3A_409, %get3A_410, %get3A_411] {strides = array<i32>} : memref<7x128x64xf32, #tpu.memory_space<vmem>>, vector<1x1x16xf32>,
        %get3A_413 = vector.shape_cast %get3A_412 : vector<1x1x16xf32> to vector<16xf32>
        %add3A_414 = arith.addf %add3A_407, %get3A_413 : vector<16xf32>
        %get3A_415 = arith.constant 6 : i32
        %get3A_416 = arith.index_cast %get3A_415 : i32 to index
        %get3A_417 = arith.index_cast %scan3A_210 : i32 to index
        %get3A_418 = arith.constant 48 : index
        %get3A_419 = tpu.vector_load %arg12[%get3A_416, %get3A_417, %get3A_418] {strides = array<i32>} : memref<7x128x64xf32, #tpu.memory_space<vmem>>, vector<1x1x16xf32>,
        %get3A_420 = vector.shape_cast %get3A_419 : vector<1x1x16xf32> to vector<16xf32>
        %add3A_421 = arith.addf %add3A_414, %get3A_420 : vector<16xf32>
        %swap3A_422 = arith.constant 0 : i32
        %swap3A_423 = arith.index_cast %swap3A_422 : i32 to index
        %swap3A_424 = arith.index_cast %scan3A_210 : i32 to index
        %swap3A_425 = arith.constant 48 : index
        %swap3A_426 = tpu.vector_load %arg12[%swap3A_423, %swap3A_424, %swap3A_425] {strides = array<i32>} : memref<7x128x64xf32, #tpu.memory_space<vmem>>, vector<1x1x16xf32>,
        %swap3A_427 = vector.shape_cast %swap3A_426 : vector<1x1x16xf32> to vector<16xf32>
        %swap3A_428 = vector.shape_cast %add3A_421 : vector<16xf32> to vector<1x1x16xf32>
        tpu.vector_store %arg12[%swap3A_423, %swap3A_424, %swap3A_425], %swap3A_428 {strides = array<i32>} : memref<7x128x64xf32, #tpu.memory_space<vmem>>, vector<1x1x16xf32>,
        %scan3A_429 = arith.constant 1 : i32
        %scan3A_430 = arith.addi %scan3A_210, %scan3A_429 : i32
        %get3A_431 = arith.constant 0 : i32
        %get3A_432 = arith.index_cast %get3A_431 : i32 to index
        %get3A_433 = arith.index_cast %scan3A_430 : i32 to index
        %get3A_434 = arith.constant 0 : index
        %get3A_435 = tpu.vector_load %arg12[%get3A_432, %get3A_433, %get3A_434] {strides = array<i32>} : memref<7x128x64xf32, #tpu.memory_space<vmem>>, vector<1x1x16xf32>,
        %get3A_436 = vector.shape_cast %get3A_435 : vector<1x1x16xf32> to vector<16xf32>
        %get3A_437 = arith.constant 1 : i32
        %get3A_438 = arith.index_cast %get3A_437 : i32 to index
        %get3A_439 = arith.index_cast %scan3A_430 : i32 to index
        %get3A_440 = arith.constant 0 : index
        %get3A_441 = tpu.vector_load %arg12[%get3A_438, %get3A_439, %get3A_440] {strides = array<i32>} : memref<7x128x64xf32, #tpu.memory_space<vmem>>, vector<1x1x16xf32>,
        %get3A_442 = vector.shape_cast %get3A_441 : vector<1x1x16xf32> to vector<16xf32>
        %add3A_443 = arith.addf %get3A_436, %get3A_442 : vector<16xf32>
        %get3A_444 = arith.constant 2 : i32
        %get3A_445 = arith.index_cast %get3A_444 : i32 to index
        %get3A_446 = arith.index_cast %scan3A_430 : i32 to index
        %get3A_447 = arith.constant 0 : index
        %get3A_448 = tpu.vector_load %arg12[%get3A_445, %get3A_446, %get3A_447] {strides = array<i32>} : memref<7x128x64xf32, #tpu.memory_space<vmem>>, vector<1x1x16xf32>,
        %get3A_449 = vector.shape_cast %get3A_448 : vector<1x1x16xf32> to vector<16xf32>
        %add3A_450 = arith.addf %add3A_443, %get3A_449 : vector<16xf32>
        %get3A_451 = arith.constant 3 : i32
        %get3A_452 = arith.index_cast %get3A_451 : i32 to index
        %get3A_453 = arith.index_cast %scan3A_430 : i32 to index
        %get3A_454 = arith.constant 0 : index
        %get3A_455 = tpu.vector_load %arg12[%get3A_452, %get3A_453, %get3A_454] {strides = array<i32>} : memref<7x128x64xf32, #tpu.memory_space<vmem>>, vector<1x1x16xf32>,
        %get3A_456 = vector.shape_cast %get3A_455 : vector<1x1x16xf32> to vector<16xf32>
        %add3A_457 = arith.addf %add3A_450, %get3A_456 : vector<16xf32>
        %get3A_458 = arith.constant 4 : i32
        %get3A_459 = arith.index_cast %get3A_458 : i32 to index
        %get3A_460 = arith.index_cast %scan3A_430 : i32 to index
        %get3A_461 = arith.constant 0 : index
        %get3A_462 = tpu.vector_load %arg12[%get3A_459, %get3A_460, %get3A_461] {strides = array<i32>} : memref<7x128x64xf32, #tpu.memory_space<vmem>>, vector<1x1x16xf32>,
        %get3A_463 = vector.shape_cast %get3A_462 : vector<1x1x16xf32> to vector<16xf32>
        %add3A_464 = arith.addf %add3A_457, %get3A_463 : vector<16xf32>
        %get3A_465 = arith.constant 5 : i32
        %get3A_466 = arith.index_cast %get3A_465 : i32 to index
        %get3A_467 = arith.index_cast %scan3A_430 : i32 to index
        %get3A_468 = arith.constant 0 : index
        %get3A_469 = tpu.vector_load %arg12[%get3A_466, %get3A_467, %get3A_468] {strides = array<i32>} : memref<7x128x64xf32, #tpu.memory_space<vmem>>, vector<1x1x16xf32>,
        %get3A_470 = vector.shape_cast %get3A_469 : vector<1x1x16xf32> to vector<16xf32>
        %add3A_471 = arith.addf %add3A_464, %get3A_470 : vector<16xf32>
        %get3A_472 = arith.constant 6 : i32
        %get3A_473 = arith.index_cast %get3A_472 : i32 to index
        %get3A_474 = arith.index_cast %scan3A_430 : i32 to index
        %get3A_475 = arith.constant 0 : index
        %get3A_476 = tpu.vector_load %arg12[%get3A_473, %get3A_474, %get3A_475] {strides = array<i32>} : memref<7x128x64xf32, #tpu.memory_space<vmem>>, vector<1x1x16xf32>,
        %get3A_477 = vector.shape_cast %get3A_476 : vector<1x1x16xf32> to vector<16xf32>
        %add3A_478 = arith.addf %add3A_471, %get3A_477 : vector<16xf32>
        %swap3A_479 = arith.constant 0 : i32
        %swap3A_480 = arith.index_cast %swap3A_479 : i32 to index
        %swap3A_481 = arith.index_cast %scan3A_430 : i32 to index
        %swap3A_482 = arith.constant 0 : index
        %swap3A_483 = tpu.vector_load %arg12[%swap3A_480, %swap3A_481, %swap3A_482] {strides = array<i32>} : memref<7x128x64xf32, #tpu.memory_space<vmem>>, vector<1x1x16xf32>,
        %swap3A_484 = vector.shape_cast %swap3A_483 : vector<1x1x16xf32> to vector<16xf32>
        %swap3A_485 = vector.shape_cast %add3A_478 : vector<16xf32> to vector<1x1x16xf32>
        tpu.vector_store %arg12[%swap3A_480, %swap3A_481, %swap3A_482], %swap3A_485 {strides = array<i32>} : memref<7x128x64xf32, #tpu.memory_space<vmem>>, vector<1x1x16xf32>,
        %get3A_486 = arith.constant 0 : i32
        %get3A_487 = arith.index_cast %get3A_486 : i32 to index
        %get3A_488 = arith.index_cast %scan3A_430 : i32 to index
        %get3A_489 = arith.constant 16 : index
        %get3A_490 = tpu.vector_load %arg12[%get3A_487, %get3A_488, %get3A_489] {strides = array<i32>} : memref<7x128x64xf32, #tpu.memory_space<vmem>>, vector<1x1x16xf32>,
        %get3A_491 = vector.shape_cast %get3A_490 : vector<1x1x16xf32> to vector<16xf32>
        %get3A_492 = arith.constant 1 : i32
        %get3A_493 = arith.index_cast %get3A_492 : i32 to index
        %get3A_494 = arith.index_cast %scan3A_430 : i32 to index
        %get3A_495 = arith.constant 16 : index
        %get3A_496 = tpu.vector_load %arg12[%get3A_493, %get3A_494, %get3A_495] {strides = array<i32>} : memref<7x128x64xf32, #tpu.memory_space<vmem>>, vector<1x1x16xf32>,
        %get3A_497 = vector.shape_cast %get3A_496 : vector<1x1x16xf32> to vector<16xf32>
        %add3A_498 = arith.addf %get3A_491, %get3A_497 : vector<16xf32>
        %get3A_499 = arith.constant 2 : i32
        %get3A_500 = arith.index_cast %get3A_499 : i32 to index
        %get3A_501 = arith.index_cast %scan3A_430 : i32 to index
        %get3A_502 = arith.constant 16 : index
        %get3A_503 = tpu.vector_load %arg12[%get3A_500, %get3A_501, %get3A_502] {strides = array<i32>} : memref<7x128x64xf32, #tpu.memory_space<vmem>>, vector<1x1x16xf32>,
        %get3A_504 = vector.shape_cast %get3A_503 : vector<1x1x16xf32> to vector<16xf32>
        %add3A_505 = arith.addf %add3A_498, %get3A_504 : vector<16xf32>
        %get3A_506 = arith.constant 3 : i32
        %get3A_507 = arith.index_cast %get3A_506 : i32 to index
        %get3A_508 = arith.index_cast %scan3A_430 : i32 to index
        %get3A_509 = arith.constant 16 : index
        %get3A_510 = tpu.vector_load %arg12[%get3A_507, %get3A_508, %get3A_509] {strides = array<i32>} : memref<7x128x64xf32, #tpu.memory_space<vmem>>, vector<1x1x16xf32>,
        %get3A_511 = vector.shape_cast %get3A_510 : vector<1x1x16xf32> to vector<16xf32>
        %add3A_512 = arith.addf %add3A_505, %get3A_511 : vector<16xf32>
        %get3A_513 = arith.constant 4 : i32
        %get3A_514 = arith.index_cast %get3A_513 : i32 to index
        %get3A_515 = arith.index_cast %scan3A_430 : i32 to index
        %get3A_516 = arith.constant 16 : index
        %get3A_517 = tpu.vector_load %arg12[%get3A_514, %get3A_515, %get3A_516] {strides = array<i32>} : memref<7x128x64xf32, #tpu.memory_space<vmem>>, vector<1x1x16xf32>,
        %get3A_518 = vector.shape_cast %get3A_517 : vector<1x1x16xf32> to vector<16xf32>
        %add3A_519 = arith.addf %add3A_512, %get3A_518 : vector<16xf32>
        %get3A_520 = arith.constant 5 : i32
        %get3A_521 = arith.index_cast %get3A_520 : i32 to index
        %get3A_522 = arith.index_cast %scan3A_430 : i32 to index
        %get3A_523 = arith.constant 16 : index
        %get3A_524 = tpu.vector_load %arg12[%get3A_521, %get3A_522, %get3A_523] {strides = array<i32>} : memref<7x128x64xf32, #tpu.memory_space<vmem>>, vector<1x1x16xf32>,
        %get3A_525 = vector.shape_cast %get3A_524 : vector<1x1x16xf32> to vector<16xf32>
        %add3A_526 = arith.addf %add3A_519, %get3A_525 : vector<16xf32>
        %get3A_527 = arith.constant 6 : i32
        %get3A_528 = arith.index_cast %get3A_527 : i32 to index
        %get3A_529 = arith.index_cast %scan3A_430 : i32 to index
        %get3A_530 = arith.constant 16 : index
        %get3A_531 = tpu.vector_load %arg12[%get3A_528, %get3A_529, %get3A_530] {strides = array<i32>} : memref<7x128x64xf32, #tpu.memory_space<vmem>>, vector<1x1x16xf32>,
        %get3A_532 = vector.shape_cast %get3A_531 : vector<1x1x16xf32> to vector<16xf32>
        %add3A_533 = arith.addf %add3A_526, %get3A_532 : vector<16xf32>
        %swap3A_534 = arith.constant 0 : i32
        %swap3A_535 = arith.index_cast %swap3A_534 : i32 to index
        %swap3A_536 = arith.index_cast %scan3A_430 : i32 to index
        %swap3A_537 = arith.constant 16 : index
        %swap3A_538 = tpu.vector_load %arg12[%swap3A_535, %swap3A_536, %swap3A_537] {strides = array<i32>} : memref<7x128x64xf32, #tpu.memory_space<vmem>>, vector<1x1x16xf32>,
        %swap3A_539 = vector.shape_cast %swap3A_538 : vector<1x1x16xf32> to vector<16xf32>
        %swap3A_540 = vector.shape_cast %add3A_533 : vector<16xf32> to vector<1x1x16xf32>
        tpu.vector_store %arg12[%swap3A_535, %swap3A_536, %swap3A_537], %swap3A_540 {strides = array<i32>} : memref<7x128x64xf32, #tpu.memory_space<vmem>>, vector<1x1x16xf32>,
        %get3A_541 = arith.constant 0 : i32
        %get3A_542 = arith.index_cast %get3A_541 : i32 to index
        %get3A_543 = arith.index_cast %scan3A_430 : i32 to index
        %get3A_544 = arith.constant 32 : index
        %get3A_545 = tpu.vector_load %arg12[%get3A_542, %get3A_543, %get3A_544] {strides = array<i32>} : memref<7x128x64xf32, #tpu.memory_space<vmem>>, vector<1x1x16xf32>,
        %get3A_546 = vector.shape_cast %get3A_545 : vector<1x1x16xf32> to vector<16xf32>
        %get3A_547 = arith.constant 1 : i32
        %get3A_548 = arith.index_cast %get3A_547 : i32 to index
        %get3A_549 = arith.index_cast %scan3A_430 : i32 to index
        %get3A_550 = arith.constant 32 : index
        %get3A_551 = tpu.vector_load %arg12[%get3A_548, %get3A_549, %get3A_550] {strides = array<i32>} : memref<7x128x64xf32, #tpu.memory_space<vmem>>, vector<1x1x16xf32>,
        %get3A_552 = vector.shape_cast %get3A_551 : vector<1x1x16xf32> to vector<16xf32>
        %add3A_553 = arith.addf %get3A_546, %get3A_552 : vector<16xf32>
        %get3A_554 = arith.constant 2 : i32
        %get3A_555 = arith.index_cast %get3A_554 : i32 to index
        %get3A_556 = arith.index_cast %scan3A_430 : i32 to index
        %get3A_557 = arith.constant 32 : index
        %get3A_558 = tpu.vector_load %arg12[%get3A_555, %get3A_556, %get3A_557] {strides = array<i32>} : memref<7x128x64xf32, #tpu.memory_space<vmem>>, vector<1x1x16xf32>,
        %get3A_559 = vector.shape_cast %get3A_558 : vector<1x1x16xf32> to vector<16xf32>
        %add3A_560 = arith.addf %add3A_553, %get3A_559 : vector<16xf32>
        %get3A_561 = arith.constant 3 : i32
        %get3A_562 = arith.index_cast %get3A_561 : i32 to index
        %get3A_563 = arith.index_cast %scan3A_430 : i32 to index
        %get3A_564 = arith.constant 32 : index
        %get3A_565 = tpu.vector_load %arg12[%get3A_562, %get3A_563, %get3A_564] {strides = array<i32>} : memref<7x128x64xf32, #tpu.memory_space<vmem>>, vector<1x1x16xf32>,
        %get3A_566 = vector.shape_cast %get3A_565 : vector<1x1x16xf32> to vector<16xf32>
        %add3A_567 = arith.addf %add3A_560, %get3A_566 : vector<16xf32>
        %get3A_568 = arith.constant 4 : i32
        %get3A_569 = arith.index_cast %get3A_568 : i32 to index
        %get3A_570 = arith.index_cast %scan3A_430 : i32 to index
        %get3A_571 = arith.constant 32 : index
        %get3A_572 = tpu.vector_load %arg12[%get3A_569, %get3A_570, %get3A_571] {strides = array<i32>} : memref<7x128x64xf32, #tpu.memory_space<vmem>>, vector<1x1x16xf32>,
        %get3A_573 = vector.shape_cast %get3A_572 : vector<1x1x16xf32> to vector<16xf32>
        %add3A_574 = arith.addf %add3A_567, %get3A_573 : vector<16xf32>
        %get3A_575 = arith.constant 5 : i32
        %get3A_576 = arith.index_cast %get3A_575 : i32 to index
        %get3A_577 = arith.index_cast %scan3A_430 : i32 to index
        %get3A_578 = arith.constant 32 : index
        %get3A_579 = tpu.vector_load %arg12[%get3A_576, %get3A_577, %get3A_578] {strides = array<i32>} : memref<7x128x64xf32, #tpu.memory_space<vmem>>, vector<1x1x16xf32>,
        %get3A_580 = vector.shape_cast %get3A_579 : vector<1x1x16xf32> to vector<16xf32>
        %add3A_581 = arith.addf %add3A_574, %get3A_580 : vector<16xf32>
        %get3A_582 = arith.constant 6 : i32
        %get3A_583 = arith.index_cast %get3A_582 : i32 to index
        %get3A_584 = arith.index_cast %scan3A_430 : i32 to index
        %get3A_585 = arith.constant 32 : index
        %get3A_586 = tpu.vector_load %arg12[%get3A_583, %get3A_584, %get3A_585] {strides = array<i32>} : memref<7x128x64xf32, #tpu.memory_space<vmem>>, vector<1x1x16xf32>,
        %get3A_587 = vector.shape_cast %get3A_586 : vector<1x1x16xf32> to vector<16xf32>
        %add3A_588 = arith.addf %add3A_581, %get3A_587 : vector<16xf32>
        %swap3A_589 = arith.constant 0 : i32
        %swap3A_590 = arith.index_cast %swap3A_589 : i32 to index
        %swap3A_591 = arith.index_cast %scan3A_430 : i32 to index
        %swap3A_592 = arith.constant 32 : index
        %swap3A_593 = tpu.vector_load %arg12[%swap3A_590, %swap3A_591, %swap3A_592] {strides = array<i32>} : memref<7x128x64xf32, #tpu.memory_space<vmem>>, vector<1x1x16xf32>,
        %swap3A_594 = vector.shape_cast %swap3A_593 : vector<1x1x16xf32> to vector<16xf32>
        %swap3A_595 = vector.shape_cast %add3A_588 : vector<16xf32> to vector<1x1x16xf32>
        tpu.vector_store %arg12[%swap3A_590, %swap3A_591, %swap3A_592], %swap3A_595 {strides = array<i32>} : memref<7x128x64xf32, #tpu.memory_space<vmem>>, vector<1x1x16xf32>,
        %get3A_596 = arith.constant 0 : i32
        %get3A_597 = arith.index_cast %get3A_596 : i32 to index
        %get3A_598 = arith.index_cast %scan3A_430 : i32 to index
        %get3A_599 = arith.constant 48 : index
        %get3A_600 = tpu.vector_load %arg12[%get3A_597, %get3A_598, %get3A_599] {strides = array<i32>} : memref<7x128x64xf32, #tpu.memory_space<vmem>>, vector<1x1x16xf32>,
        %get3A_601 = vector.shape_cast %get3A_600 : vector<1x1x16xf32> to vector<16xf32>
        %get3A_602 = arith.constant 1 : i32
        %get3A_603 = arith.index_cast %get3A_602 : i32 to index
        %get3A_604 = arith.index_cast %scan3A_430 : i32 to index
        %get3A_605 = arith.constant 48 : index
        %get3A_606 = tpu.vector_load %arg12[%get3A_603, %get3A_604, %get3A_605] {strides = array<i32>} : memref<7x128x64xf32, #tpu.memory_space<vmem>>, vector<1x1x16xf32>,
        %get3A_607 = vector.shape_cast %get3A_606 : vector<1x1x16xf32> to vector<16xf32>
        %add3A_608 = arith.addf %get3A_601, %get3A_607 : vector<16xf32>
        %get3A_609 = arith.constant 2 : i32
        %get3A_610 = arith.index_cast %get3A_609 : i32 to index
        %get3A_611 = arith.index_cast %scan3A_430 : i32 to index
        %get3A_612 = arith.constant 48 : index
        %get3A_613 = tpu.vector_load %arg12[%get3A_610, %get3A_611, %get3A_612] {strides = array<i32>} : memref<7x128x64xf32, #tpu.memory_space<vmem>>, vector<1x1x16xf32>,
        %get3A_614 = vector.shape_cast %get3A_613 : vector<1x1x16xf32> to vector<16xf32>
        %add3A_615 = arith.addf %add3A_608, %get3A_614 : vector<16xf32>
        %get3A_616 = arith.constant 3 : i32
        %get3A_617 = arith.index_cast %get3A_616 : i32 to index
        %get3A_618 = arith.index_cast %scan3A_430 : i32 to index
        %get3A_619 = arith.constant 48 : index
        %get3A_620 = tpu.vector_load %arg12[%get3A_617, %get3A_618, %get3A_619] {strides = array<i32>} : memref<7x128x64xf32, #tpu.memory_space<vmem>>, vector<1x1x16xf32>,
        %get3A_621 = vector.shape_cast %get3A_620 : vector<1x1x16xf32> to vector<16xf32>
        %add3A_622 = arith.addf %add3A_615, %get3A_621 : vector<16xf32>
        %get3A_623 = arith.constant 4 : i32
        %get3A_624 = arith.index_cast %get3A_623 : i32 to index
        %get3A_625 = arith.index_cast %scan3A_430 : i32 to index
        %get3A_626 = arith.constant 48 : index
        %get3A_627 = tpu.vector_load %arg12[%get3A_624, %get3A_625, %get3A_626] {strides = array<i32>} : memref<7x128x64xf32, #tpu.memory_space<vmem>>, vector<1x1x16xf32>,
        %get3A_628 = vector.shape_cast %get3A_627 : vector<1x1x16xf32> to vector<16xf32>
        %add3A_629 = arith.addf %add3A_622, %get3A_628 : vector<16xf32>
        %get3A_630 = arith.constant 5 : i32
        %get3A_631 = arith.index_cast %get3A_630 : i32 to index
        %get3A_632 = arith.index_cast %scan3A_430 : i32 to index
        %get3A_633 = arith.constant 48 : index
        %get3A_634 = tpu.vector_load %arg12[%get3A_631, %get3A_632, %get3A_633] {strides = array<i32>} : memref<7x128x64xf32, #tpu.memory_space<vmem>>, vector<1x1x16xf32>,
        %get3A_635 = vector.shape_cast %get3A_634 : vector<1x1x16xf32> to vector<16xf32>
        %add3A_636 = arith.addf %add3A_629, %get3A_635 : vector<16xf32>
        %get3A_637 = arith.constant 6 : i32
        %get3A_638 = arith.index_cast %get3A_637 : i32 to index
        %get3A_639 = arith.index_cast %scan3A_430 : i32 to index
        %get3A_640 = arith.constant 48 : index
        %get3A_641 = tpu.vector_load %arg12[%get3A_638, %get3A_639, %get3A_640] {strides = array<i32>} : memref<7x128x64xf32, #tpu.memory_space<vmem>>, vector<1x1x16xf32>,
        %get3A_642 = vector.shape_cast %get3A_641 : vector<1x1x16xf32> to vector<16xf32>
        %add3A_643 = arith.addf %add3A_636, %get3A_642 : vector<16xf32>
        %swap3A_644 = arith.constant 0 : i32
        %swap3A_645 = arith.index_cast %swap3A_644 : i32 to index
        %swap3A_646 = arith.index_cast %scan3A_430 : i32 to index
        %swap3A_647 = arith.constant 48 : index
        %swap3A_648 = tpu.vector_load %arg12[%swap3A_645, %swap3A_646, %swap3A_647] {strides = array<i32>} : memref<7x128x64xf32, #tpu.memory_space<vmem>>, vector<1x1x16xf32>,
        %swap3A_649 = vector.shape_cast %swap3A_648 : vector<1x1x16xf32> to vector<16xf32>
        %swap3A_650 = vector.shape_cast %add3A_643 : vector<16xf32> to vector<1x1x16xf32>
        tpu.vector_store %arg12[%swap3A_645, %swap3A_646, %swap3A_647], %swap3A_650 {strides = array<i32>} : memref<7x128x64xf32, #tpu.memory_space<vmem>>, vector<1x1x16xf32>,
        %scan3A_651 = arith.constant 2 : i32
        %scan3A_652 = arith.addi %scan3A_210, %scan3A_651 : i32
        %get3A_653 = arith.constant 0 : i32
        %get3A_654 = arith.index_cast %get3A_653 : i32 to index
        %get3A_655 = arith.index_cast %scan3A_652 : i32 to index
        %get3A_656 = arith.constant 0 : index
        %get3A_657 = tpu.vector_load %arg12[%get3A_654, %get3A_655, %get3A_656] {strides = array<i32>} : memref<7x128x64xf32, #tpu.memory_space<vmem>>, vector<1x1x16xf32>,
        %get3A_658 = vector.shape_cast %get3A_657 : vector<1x1x16xf32> to vector<16xf32>
        %get3A_659 = arith.constant 1 : i32
        %get3A_660 = arith.index_cast %get3A_659 : i32 to index
        %get3A_661 = arith.index_cast %scan3A_652 : i32 to index
        %get3A_662 = arith.constant 0 : index
        %get3A_663 = tpu.vector_load %arg12[%get3A_660, %get3A_661, %get3A_662] {strides = array<i32>} : memref<7x128x64xf32, #tpu.memory_space<vmem>>, vector<1x1x16xf32>,
        %get3A_664 = vector.shape_cast %get3A_663 : vector<1x1x16xf32> to vector<16xf32>
        %add3A_665 = arith.addf %get3A_658, %get3A_664 : vector<16xf32>
        %get3A_666 = arith.constant 2 : i32
        %get3A_667 = arith.index_cast %get3A_666 : i32 to index
        %get3A_668 = arith.index_cast %scan3A_652 : i32 to index
        %get3A_669 = arith.constant 0 : index
        %get3A_670 = tpu.vector_load %arg12[%get3A_667, %get3A_668, %get3A_669] {strides = array<i32>} : memref<7x128x64xf32, #tpu.memory_space<vmem>>, vector<1x1x16xf32>,
        %get3A_671 = vector.shape_cast %get3A_670 : vector<1x1x16xf32> to vector<16xf32>
        %add3A_672 = arith.addf %add3A_665, %get3A_671 : vector<16xf32>
        %get3A_673 = arith.constant 3 : i32
        %get3A_674 = arith.index_cast %get3A_673 : i32 to index
        %get3A_675 = arith.index_cast %scan3A_652 : i32 to index
        %get3A_676 = arith.constant 0 : index
        %get3A_677 = tpu.vector_load %arg12[%get3A_674, %get3A_675, %get3A_676] {strides = array<i32>} : memref<7x128x64xf32, #tpu.memory_space<vmem>>, vector<1x1x16xf32>,
        %get3A_678 = vector.shape_cast %get3A_677 : vector<1x1x16xf32> to vector<16xf32>
        %add3A_679 = arith.addf %add3A_672, %get3A_678 : vector<16xf32>
        %get3A_680 = arith.constant 4 : i32
        %get3A_681 = arith.index_cast %get3A_680 : i32 to index
        %get3A_682 = arith.index_cast %scan3A_652 : i32 to index
        %get3A_683 = arith.constant 0 : index
        %get3A_684 = tpu.vector_load %arg12[%get3A_681, %get3A_682, %get3A_683] {strides = array<i32>} : memref<7x128x64xf32, #tpu.memory_space<vmem>>, vector<1x1x16xf32>,
        %get3A_685 = vector.shape_cast %get3A_684 : vector<1x1x16xf32> to vector<16xf32>
        %add3A_686 = arith.addf %add3A_679, %get3A_685 : vector<16xf32>
        %get3A_687 = arith.constant 5 : i32
        %get3A_688 = arith.index_cast %get3A_687 : i32 to index
        %get3A_689 = arith.index_cast %scan3A_652 : i32 to index
        %get3A_690 = arith.constant 0 : index
        %get3A_691 = tpu.vector_load %arg12[%get3A_688, %get3A_689, %get3A_690] {strides = array<i32>} : memref<7x128x64xf32, #tpu.memory_space<vmem>>, vector<1x1x16xf32>,
        %get3A_692 = vector.shape_cast %get3A_691 : vector<1x1x16xf32> to vector<16xf32>
        %add3A_693 = arith.addf %add3A_686, %get3A_692 : vector<16xf32>
        %get3A_694 = arith.constant 6 : i32
        %get3A_695 = arith.index_cast %get3A_694 : i32 to index
        %get3A_696 = arith.index_cast %scan3A_652 : i32 to index
        %get3A_697 = arith.constant 0 : index
        %get3A_698 = tpu.vector_load %arg12[%get3A_695, %get3A_696, %get3A_697] {strides = array<i32>} : memref<7x128x64xf32, #tpu.memory_space<vmem>>, vector<1x1x16xf32>,
        %get3A_699 = vector.shape_cast %get3A_698 : vector<1x1x16xf32> to vector<16xf32>
        %add3A_700 = arith.addf %add3A_693, %get3A_699 : vector<16xf32>
        %swap3A_701 = arith.constant 0 : i32
        %swap3A_702 = arith.index_cast %swap3A_701 : i32 to index
        %swap3A_703 = arith.index_cast %scan3A_652 : i32 to index
        %swap3A_704 = arith.constant 0 : index
        %swap3A_705 = tpu.vector_load %arg12[%swap3A_702, %swap3A_703, %swap3A_704] {strides = array<i32>} : memref<7x128x64xf32, #tpu.memory_space<vmem>>, vector<1x1x16xf32>,
        %swap3A_706 = vector.shape_cast %swap3A_705 : vector<1x1x16xf32> to vector<16xf32>
        %swap3A_707 = vector.shape_cast %add3A_700 : vector<16xf32> to vector<1x1x16xf32>
        tpu.vector_store %arg12[%swap3A_702, %swap3A_703, %swap3A_704], %swap3A_707 {strides = array<i32>} : memref<7x128x64xf32, #tpu.memory_space<vmem>>, vector<1x1x16xf32>,
        %get3A_708 = arith.constant 0 : i32
        %get3A_709 = arith.index_cast %get3A_708 : i32 to index
        %get3A_710 = arith.index_cast %scan3A_652 : i32 to index
        %get3A_711 = arith.constant 16 : index
        %get3A_712 = tpu.vector_load %arg12[%get3A_709, %get3A_710, %get3A_711] {strides = array<i32>} : memref<7x128x64xf32, #tpu.memory_space<vmem>>, vector<1x1x16xf32>,
        %get3A_713 = vector.shape_cast %get3A_712 : vector<1x1x16xf32> to vector<16xf32>
        %get3A_714 = arith.constant 1 : i32
        %get3A_715 = arith.index_cast %get3A_714 : i32 to index
        %get3A_716 = arith.index_cast %scan3A_652 : i32 to index
        %get3A_717 = arith.constant 16 : index
        %get3A_718 = tpu.vector_load %arg12[%get3A_715, %get3A_716, %get3A_717] {strides = array<i32>} : memref<7x128x64xf32, #tpu.memory_space<vmem>>, vector<1x1x16xf32>,
        %get3A_719 = vector.shape_cast %get3A_718 : vector<1x1x16xf32> to vector<16xf32>
        %add3A_720 = arith.addf %get3A_713, %get3A_719 : vector<16xf32>
        %get3A_721 = arith.constant 2 : i32
        %get3A_722 = arith.index_cast %get3A_721 : i32 to index
        %get3A_723 = arith.index_cast %scan3A_652 : i32 to index
        %get3A_724 = arith.constant 16 : index
        %get3A_725 = tpu.vector_load %arg12[%get3A_722, %get3A_723, %get3A_724] {strides = array<i32>} : memref<7x128x64xf32, #tpu.memory_space<vmem>>, vector<1x1x16xf32>,
        %get3A_726 = vector.shape_cast %get3A_725 : vector<1x1x16xf32> to vector<16xf32>
        %add3A_727 = arith.addf %add3A_720, %get3A_726 : vector<16xf32>
        %get3A_728 = arith.constant 3 : i32
        %get3A_729 = arith.index_cast %get3A_728 : i32 to index
        %get3A_730 = arith.index_cast %scan3A_652 : i32 to index
        %get3A_731 = arith.constant 16 : index
        %get3A_732 = tpu.vector_load %arg12[%get3A_729, %get3A_730, %get3A_731] {strides = array<i32>} : memref<7x128x64xf32, #tpu.memory_space<vmem>>, vector<1x1x16xf32>,
        %get3A_733 = vector.shape_cast %get3A_732 : vector<1x1x16xf32> to vector<16xf32>
        %add3A_734 = arith.addf %add3A_727, %get3A_733 : vector<16xf32>
        %get3A_735 = arith.constant 4 : i32
        %get3A_736 = arith.index_cast %get3A_735 : i32 to index
        %get3A_737 = arith.index_cast %scan3A_652 : i32 to index
        %get3A_738 = arith.constant 16 : index
        %get3A_739 = tpu.vector_load %arg12[%get3A_736, %get3A_737, %get3A_738] {strides = array<i32>} : memref<7x128x64xf32, #tpu.memory_space<vmem>>, vector<1x1x16xf32>,
        %get3A_740 = vector.shape_cast %get3A_739 : vector<1x1x16xf32> to vector<16xf32>
        %add3A_741 = arith.addf %add3A_734, %get3A_740 : vector<16xf32>
        %get3A_742 = arith.constant 5 : i32
        %get3A_743 = arith.index_cast %get3A_742 : i32 to index
        %get3A_744 = arith.index_cast %scan3A_652 : i32 to index
        %get3A_745 = arith.constant 16 : index
        %get3A_746 = tpu.vector_load %arg12[%get3A_743, %get3A_744, %get3A_745] {strides = array<i32>} : memref<7x128x64xf32, #tpu.memory_space<vmem>>, vector<1x1x16xf32>,
        %get3A_747 = vector.shape_cast %get3A_746 : vector<1x1x16xf32> to vector<16xf32>
        %add3A_748 = arith.addf %add3A_741, %get3A_747 : vector<16xf32>
        %get3A_749 = arith.constant 6 : i32
        %get3A_750 = arith.index_cast %get3A_749 : i32 to index
        %get3A_751 = arith.index_cast %scan3A_652 : i32 to index
        %get3A_752 = arith.constant 16 : index
        %get3A_753 = tpu.vector_load %arg12[%get3A_750, %get3A_751, %get3A_752] {strides = array<i32>} : memref<7x128x64xf32, #tpu.memory_space<vmem>>, vector<1x1x16xf32>,
        %get3A_754 = vector.shape_cast %get3A_753 : vector<1x1x16xf32> to vector<16xf32>
        %add3A_755 = arith.addf %add3A_748, %get3A_754 : vector<16xf32>
        %swap3A_756 = arith.constant 0 : i32
        %swap3A_757 = arith.index_cast %swap3A_756 : i32 to index
        %swap3A_758 = arith.index_cast %scan3A_652 : i32 to index
        %swap3A_759 = arith.constant 16 : index
        %swap3A_760 = tpu.vector_load %arg12[%swap3A_757, %swap3A_758, %swap3A_759] {strides = array<i32>} : memref<7x128x64xf32, #tpu.memory_space<vmem>>, vector<1x1x16xf32>,
        %swap3A_761 = vector.shape_cast %swap3A_760 : vector<1x1x16xf32> to vector<16xf32>
        %swap3A_762 = vector.shape_cast %add3A_755 : vector<16xf32> to vector<1x1x16xf32>
        tpu.vector_store %arg12[%swap3A_757, %swap3A_758, %swap3A_759], %swap3A_762 {strides = array<i32>} : memref<7x128x64xf32, #tpu.memory_space<vmem>>, vector<1x1x16xf32>,
        %get3A_763 = arith.constant 0 : i32
        %get3A_764 = arith.index_cast %get3A_763 : i32 to index
        %get3A_765 = arith.index_cast %scan3A_652 : i32 to index
        %get3A_766 = arith.constant 32 : index
        %get3A_767 = tpu.vector_load %arg12[%get3A_764, %get3A_765, %get3A_766] {strides = array<i32>} : memref<7x128x64xf32, #tpu.memory_space<vmem>>, vector<1x1x16xf32>,
        %get3A_768 = vector.shape_cast %get3A_767 : vector<1x1x16xf32> to vector<16xf32>
        %get3A_769 = arith.constant 1 : i32
        %get3A_770 = arith.index_cast %get3A_769 : i32 to index
        %get3A_771 = arith.index_cast %scan3A_652 : i32 to index
        %get3A_772 = arith.constant 32 : index
        %get3A_773 = tpu.vector_load %arg12[%get3A_770, %get3A_771, %get3A_772] {strides = array<i32>} : memref<7x128x64xf32, #tpu.memory_space<vmem>>, vector<1x1x16xf32>,
        %get3A_774 = vector.shape_cast %get3A_773 : vector<1x1x16xf32> to vector<16xf32>
        %add3A_775 = arith.addf %get3A_768, %get3A_774 : vector<16xf32>
        %get3A_776 = arith.constant 2 : i32
        %get3A_777 = arith.index_cast %get3A_776 : i32 to index
        %get3A_778 = arith.index_cast %scan3A_652 : i32 to index
        %get3A_779 = arith.constant 32 : index
        %get3A_780 = tpu.vector_load %arg12[%get3A_777, %get3A_778, %get3A_779] {strides = array<i32>} : memref<7x128x64xf32, #tpu.memory_space<vmem>>, vector<1x1x16xf32>,
        %get3A_781 = vector.shape_cast %get3A_780 : vector<1x1x16xf32> to vector<16xf32>
        %add3A_782 = arith.addf %add3A_775, %get3A_781 : vector<16xf32>
        %get3A_783 = arith.constant 3 : i32
        %get3A_784 = arith.index_cast %get3A_783 : i32 to index
        %get3A_785 = arith.index_cast %scan3A_652 : i32 to index
        %get3A_786 = arith.constant 32 : index
        %get3A_787 = tpu.vector_load %arg12[%get3A_784, %get3A_785, %get3A_786] {strides = array<i32>} : memref<7x128x64xf32, #tpu.memory_space<vmem>>, vector<1x1x16xf32>,
        %get3A_788 = vector.shape_cast %get3A_787 : vector<1x1x16xf32> to vector<16xf32>
        %add3A_789 = arith.addf %add3A_782, %get3A_788 : vector<16xf32>
        %get3A_790 = arith.constant 4 : i32
        %get3A_791 = arith.index_cast %get3A_790 : i32 to index
        %get3A_792 = arith.index_cast %scan3A_652 : i32 to index
        %get3A_793 = arith.constant 32 : index
        %get3A_794 = tpu.vector_load %arg12[%get3A_791, %get3A_792, %get3A_793] {strides = array<i32>} : memref<7x128x64xf32, #tpu.memory_space<vmem>>, vector<1x1x16xf32>,
        %get3A_795 = vector.shape_cast %get3A_794 : vector<1x1x16xf32> to vector<16xf32>
        %add3A_796 = arith.addf %add3A_789, %get3A_795 : vector<16xf32>
        %get3A_797 = arith.constant 5 : i32
        %get3A_798 = arith.index_cast %get3A_797 : i32 to index
        %get3A_799 = arith.index_cast %scan3A_652 : i32 to index
        %get3A_800 = arith.constant 32 : index
        %get3A_801 = tpu.vector_load %arg12[%get3A_798, %get3A_799, %get3A_800] {strides = array<i32>} : memref<7x128x64xf32, #tpu.memory_space<vmem>>, vector<1x1x16xf32>,
        %get3A_802 = vector.shape_cast %get3A_801 : vector<1x1x16xf32> to vector<16xf32>
        %add3A_803 = arith.addf %add3A_796, %get3A_802 : vector<16xf32>
        %get3A_804 = arith.constant 6 : i32
        %get3A_805 = arith.index_cast %get3A_804 : i32 to index
        %get3A_806 = arith.index_cast %scan3A_652 : i32 to index
        %get3A_807 = arith.constant 32 : index
        %get3A_808 = tpu.vector_load %arg12[%get3A_805, %get3A_806, %get3A_807] {strides = array<i32>} : memref<7x128x64xf32, #tpu.memory_space<vmem>>, vector<1x1x16xf32>,
        %get3A_809 = vector.shape_cast %get3A_808 : vector<1x1x16xf32> to vector<16xf32>
        %add3A_810 = arith.addf %add3A_803, %get3A_809 : vector<16xf32>
        %swap3A_811 = arith.constant 0 : i32
        %swap3A_812 = arith.index_cast %swap3A_811 : i32 to index
        %swap3A_813 = arith.index_cast %scan3A_652 : i32 to index
        %swap3A_814 = arith.constant 32 : index
        %swap3A_815 = tpu.vector_load %arg12[%swap3A_812, %swap3A_813, %swap3A_814] {strides = array<i32>} : memref<7x128x64xf32, #tpu.memory_space<vmem>>, vector<1x1x16xf32>,
        %swap3A_816 = vector.shape_cast %swap3A_815 : vector<1x1x16xf32> to vector<16xf32>
        %swap3A_817 = vector.shape_cast %add3A_810 : vector<16xf32> to vector<1x1x16xf32>
        tpu.vector_store %arg12[%swap3A_812, %swap3A_813, %swap3A_814], %swap3A_817 {strides = array<i32>} : memref<7x128x64xf32, #tpu.memory_space<vmem>>, vector<1x1x16xf32>,
        %get3A_818 = arith.constant 0 : i32
        %get3A_819 = arith.index_cast %get3A_818 : i32 to index
        %get3A_820 = arith.index_cast %scan3A_652 : i32 to index
        %get3A_821 = arith.constant 48 : index
        %get3A_822 = tpu.vector_load %arg12[%get3A_819, %get3A_820, %get3A_821] {strides = array<i32>} : memref<7x128x64xf32, #tpu.memory_space<vmem>>, vector<1x1x16xf32>,
        %get3A_823 = vector.shape_cast %get3A_822 : vector<1x1x16xf32> to vector<16xf32>
        %get3A_824 = arith.constant 1 : i32
        %get3A_825 = arith.index_cast %get3A_824 : i32 to index
        %get3A_826 = arith.index_cast %scan3A_652 : i32 to index
        %get3A_827 = arith.constant 48 : index
        %get3A_828 = tpu.vector_load %arg12[%get3A_825, %get3A_826, %get3A_827] {strides = array<i32>} : memref<7x128x64xf32, #tpu.memory_space<vmem>>, vector<1x1x16xf32>,
        %get3A_829 = vector.shape_cast %get3A_828 : vector<1x1x16xf32> to vector<16xf32>
        %add3A_830 = arith.addf %get3A_823, %get3A_829 : vector<16xf32>
        %get3A_831 = arith.constant 2 : i32
        %get3A_832 = arith.index_cast %get3A_831 : i32 to index
        %get3A_833 = arith.index_cast %scan3A_652 : i32 to index
        %get3A_834 = arith.constant 48 : index
        %get3A_835 = tpu.vector_load %arg12[%get3A_832, %get3A_833, %get3A_834] {strides = array<i32>} : memref<7x128x64xf32, #tpu.memory_space<vmem>>, vector<1x1x16xf32>,
        %get3A_836 = vector.shape_cast %get3A_835 : vector<1x1x16xf32> to vector<16xf32>
        %add3A_837 = arith.addf %add3A_830, %get3A_836 : vector<16xf32>
        %get3A_838 = arith.constant 3 : i32
        %get3A_839 = arith.index_cast %get3A_838 : i32 to index
        %get3A_840 = arith.index_cast %scan3A_652 : i32 to index
        %get3A_841 = arith.constant 48 : index
        %get3A_842 = tpu.vector_load %arg12[%get3A_839, %get3A_840, %get3A_841] {strides = array<i32>} : memref<7x128x64xf32, #tpu.memory_space<vmem>>, vector<1x1x16xf32>,
        %get3A_843 = vector.shape_cast %get3A_842 : vector<1x1x16xf32> to vector<16xf32>
        %add3A_844 = arith.addf %add3A_837, %get3A_843 : vector<16xf32>
        %get3A_845 = arith.constant 4 : i32
        %get3A_846 = arith.index_cast %get3A_845 : i32 to index
        %get3A_847 = arith.index_cast %scan3A_652 : i32 to index
        %get3A_848 = arith.constant 48 : index
        %get3A_849 = tpu.vector_load %arg12[%get3A_846, %get3A_847, %get3A_848] {strides = array<i32>} : memref<7x128x64xf32, #tpu.memory_space<vmem>>, vector<1x1x16xf32>,
        %get3A_850 = vector.shape_cast %get3A_849 : vector<1x1x16xf32> to vector<16xf32>
        %add3A_851 = arith.addf %add3A_844, %get3A_850 : vector<16xf32>
        %get3A_852 = arith.constant 5 : i32
        %get3A_853 = arith.index_cast %get3A_852 : i32 to index
        %get3A_854 = arith.index_cast %scan3A_652 : i32 to index
        %get3A_855 = arith.constant 48 : index
        %get3A_856 = tpu.vector_load %arg12[%get3A_853, %get3A_854, %get3A_855] {strides = array<i32>} : memref<7x128x64xf32, #tpu.memory_space<vmem>>, vector<1x1x16xf32>,
        %get3A_857 = vector.shape_cast %get3A_856 : vector<1x1x16xf32> to vector<16xf32>
        %add3A_858 = arith.addf %add3A_851, %get3A_857 : vector<16xf32>
        %get3A_859 = arith.constant 6 : i32
        %get3A_860 = arith.index_cast %get3A_859 : i32 to index
        %get3A_861 = arith.index_cast %scan3A_652 : i32 to index
        %get3A_862 = arith.constant 48 : index
        %get3A_863 = tpu.vector_load %arg12[%get3A_860, %get3A_861, %get3A_862] {strides = array<i32>} : memref<7x128x64xf32, #tpu.memory_space<vmem>>, vector<1x1x16xf32>,
        %get3A_864 = vector.shape_cast %get3A_863 : vector<1x1x16xf32> to vector<16xf32>
        %add3A_865 = arith.addf %add3A_858, %get3A_864 : vector<16xf32>
        %swap3A_866 = arith.constant 0 : i32
        %swap3A_867 = arith.index_cast %swap3A_866 : i32 to index
        %swap3A_868 = arith.index_cast %scan3A_652 : i32 to index
        %swap3A_869 = arith.constant 48 : index
        %swap3A_870 = tpu.vector_load %arg12[%swap3A_867, %swap3A_868, %swap3A_869] {strides = array<i32>} : memref<7x128x64xf32, #tpu.memory_space<vmem>>, vector<1x1x16xf32>,
        %swap3A_871 = vector.shape_cast %swap3A_870 : vector<1x1x16xf32> to vector<16xf32>
        %swap3A_872 = vector.shape_cast %add3A_865 : vector<16xf32> to vector<1x1x16xf32>
        tpu.vector_store %arg12[%swap3A_867, %swap3A_868, %swap3A_869], %swap3A_872 {strides = array<i32>} : memref<7x128x64xf32, #tpu.memory_space<vmem>>, vector<1x1x16xf32>,
        %scan3A_873 = arith.constant 3 : i32
        %scan3A_874 = arith.addi %scan3A_210, %scan3A_873 : i32
        %get3A_875 = arith.constant 0 : i32
        %get3A_876 = arith.index_cast %get3A_875 : i32 to index
        %get3A_877 = arith.index_cast %scan3A_874 : i32 to index
        %get3A_878 = arith.constant 0 : index
        %get3A_879 = tpu.vector_load %arg12[%get3A_876, %get3A_877, %get3A_878] {strides = array<i32>} : memref<7x128x64xf32, #tpu.memory_space<vmem>>, vector<1x1x16xf32>,
        %get3A_880 = vector.shape_cast %get3A_879 : vector<1x1x16xf32> to vector<16xf32>
        %get3A_881 = arith.constant 1 : i32
        %get3A_882 = arith.index_cast %get3A_881 : i32 to index
        %get3A_883 = arith.index_cast %scan3A_874 : i32 to index
        %get3A_884 = arith.constant 0 : index
        %get3A_885 = tpu.vector_load %arg12[%get3A_882, %get3A_883, %get3A_884] {strides = array<i32>} : memref<7x128x64xf32, #tpu.memory_space<vmem>>, vector<1x1x16xf32>,
        %get3A_886 = vector.shape_cast %get3A_885 : vector<1x1x16xf32> to vector<16xf32>
        %add3A_887 = arith.addf %get3A_880, %get3A_886 : vector<16xf32>
        %get3A_888 = arith.constant 2 : i32
        %get3A_889 = arith.index_cast %get3A_888 : i32 to index
        %get3A_890 = arith.index_cast %scan3A_874 : i32 to index
        %get3A_891 = arith.constant 0 : index
        %get3A_892 = tpu.vector_load %arg12[%get3A_889, %get3A_890, %get3A_891] {strides = array<i32>} : memref<7x128x64xf32, #tpu.memory_space<vmem>>, vector<1x1x16xf32>,
        %get3A_893 = vector.shape_cast %get3A_892 : vector<1x1x16xf32> to vector<16xf32>
        %add3A_894 = arith.addf %add3A_887, %get3A_893 : vector<16xf32>
        %get3A_895 = arith.constant 3 : i32
        %get3A_896 = arith.index_cast %get3A_895 : i32 to index
        %get3A_897 = arith.index_cast %scan3A_874 : i32 to index
        %get3A_898 = arith.constant 0 : index
        %get3A_899 = tpu.vector_load %arg12[%get3A_896, %get3A_897, %get3A_898] {strides = array<i32>} : memref<7x128x64xf32, #tpu.memory_space<vmem>>, vector<1x1x16xf32>,
        %get3A_900 = vector.shape_cast %get3A_899 : vector<1x1x16xf32> to vector<16xf32>
        %add3A_901 = arith.addf %add3A_894, %get3A_900 : vector<16xf32>
        %get3A_902 = arith.constant 4 : i32
        %get3A_903 = arith.index_cast %get3A_902 : i32 to index
        %get3A_904 = arith.index_cast %scan3A_874 : i32 to index
        %get3A_905 = arith.constant 0 : index
        %get3A_906 = tpu.vector_load %arg12[%get3A_903, %get3A_904, %get3A_905] {strides = array<i32>} : memref<7x128x64xf32, #tpu.memory_space<vmem>>, vector<1x1x16xf32>,
        %get3A_907 = vector.shape_cast %get3A_906 : vector<1x1x16xf32> to vector<16xf32>
        %add3A_908 = arith.addf %add3A_901, %get3A_907 : vector<16xf32>
        %get3A_909 = arith.constant 5 : i32
        %get3A_910 = arith.index_cast %get3A_909 : i32 to index
        %get3A_911 = arith.index_cast %scan3A_874 : i32 to index
        %get3A_912 = arith.constant 0 : index
        %get3A_913 = tpu.vector_load %arg12[%get3A_910, %get3A_911, %get3A_912] {strides = array<i32>} : memref<7x128x64xf32, #tpu.memory_space<vmem>>, vector<1x1x16xf32>,
        %get3A_914 = vector.shape_cast %get3A_913 : vector<1x1x16xf32> to vector<16xf32>
        %add3A_915 = arith.addf %add3A_908, %get3A_914 : vector<16xf32>
        %get3A_916 = arith.constant 6 : i32
        %get3A_917 = arith.index_cast %get3A_916 : i32 to index
        %get3A_918 = arith.index_cast %scan3A_874 : i32 to index
        %get3A_919 = arith.constant 0 : index
        %get3A_920 = tpu.vector_load %arg12[%get3A_917, %get3A_918, %get3A_919] {strides = array<i32>} : memref<7x128x64xf32, #tpu.memory_space<vmem>>, vector<1x1x16xf32>,
        %get3A_921 = vector.shape_cast %get3A_920 : vector<1x1x16xf32> to vector<16xf32>
        %add3A_922 = arith.addf %add3A_915, %get3A_921 : vector<16xf32>
        %swap3A_923 = arith.constant 0 : i32
        %swap3A_924 = arith.index_cast %swap3A_923 : i32 to index
        %swap3A_925 = arith.index_cast %scan3A_874 : i32 to index
        %swap3A_926 = arith.constant 0 : index
        %swap3A_927 = tpu.vector_load %arg12[%swap3A_924, %swap3A_925, %swap3A_926] {strides = array<i32>} : memref<7x128x64xf32, #tpu.memory_space<vmem>>, vector<1x1x16xf32>,
        %swap3A_928 = vector.shape_cast %swap3A_927 : vector<1x1x16xf32> to vector<16xf32>
        %swap3A_929 = vector.shape_cast %add3A_922 : vector<16xf32> to vector<1x1x16xf32>
        tpu.vector_store %arg12[%swap3A_924, %swap3A_925, %swap3A_926], %swap3A_929 {strides = array<i32>} : memref<7x128x64xf32, #tpu.memory_space<vmem>>, vector<1x1x16xf32>,
        %get3A_930 = arith.constant 0 : i32
        %get3A_931 = arith.index_cast %get3A_930 : i32 to index
        %get3A_932 = arith.index_cast %scan3A_874 : i32 to index
        %get3A_933 = arith.constant 16 : index
        %get3A_934 = tpu.vector_load %arg12[%get3A_931, %get3A_932, %get3A_933] {strides = array<i32>} : memref<7x128x64xf32, #tpu.memory_space<vmem>>, vector<1x1x16xf32>,
        %get3A_935 = vector.shape_cast %get3A_934 : vector<1x1x16xf32> to vector<16xf32>
        %get3A_936 = arith.constant 1 : i32
        %get3A_937 = arith.index_cast %get3A_936 : i32 to index
        %get3A_938 = arith.index_cast %scan3A_874 : i32 to index
        %get3A_939 = arith.constant 16 : index
        %get3A_940 = tpu.vector_load %arg12[%get3A_937, %get3A_938, %get3A_939] {strides = array<i32>} : memref<7x128x64xf32, #tpu.memory_space<vmem>>, vector<1x1x16xf32>,
        %get3A_941 = vector.shape_cast %get3A_940 : vector<1x1x16xf32> to vector<16xf32>
        %add3A_942 = arith.addf %get3A_935, %get3A_941 : vector<16xf32>
        %get3A_943 = arith.constant 2 : i32
        %get3A_944 = arith.index_cast %get3A_943 : i32 to index
        %get3A_945 = arith.index_cast %scan3A_874 : i32 to index
        %get3A_946 = arith.constant 16 : index
        %get3A_947 = tpu.vector_load %arg12[%get3A_944, %get3A_945, %get3A_946] {strides = array<i32>} : memref<7x128x64xf32, #tpu.memory_space<vmem>>, vector<1x1x16xf32>,
        %get3A_948 = vector.shape_cast %get3A_947 : vector<1x1x16xf32> to vector<16xf32>
        %add3A_949 = arith.addf %add3A_942, %get3A_948 : vector<16xf32>
        %get3A_950 = arith.constant 3 : i32
        %get3A_951 = arith.index_cast %get3A_950 : i32 to index
        %get3A_952 = arith.index_cast %scan3A_874 : i32 to index
        %get3A_953 = arith.constant 16 : index
        %get3A_954 = tpu.vector_load %arg12[%get3A_951, %get3A_952, %get3A_953] {strides = array<i32>} : memref<7x128x64xf32, #tpu.memory_space<vmem>>, vector<1x1x16xf32>,
        %get3A_955 = vector.shape_cast %get3A_954 : vector<1x1x16xf32> to vector<16xf32>
        %add3A_956 = arith.addf %add3A_949, %get3A_955 : vector<16xf32>
        %get3A_957 = arith.constant 4 : i32
        %get3A_958 = arith.index_cast %get3A_957 : i32 to index
        %get3A_959 = arith.index_cast %scan3A_874 : i32 to index
        %get3A_960 = arith.constant 16 : index
        %get3A_961 = tpu.vector_load %arg12[%get3A_958, %get3A_959, %get3A_960] {strides = array<i32>} : memref<7x128x64xf32, #tpu.memory_space<vmem>>, vector<1x1x16xf32>,
        %get3A_962 = vector.shape_cast %get3A_961 : vector<1x1x16xf32> to vector<16xf32>
        %add3A_963 = arith.addf %add3A_956, %get3A_962 : vector<16xf32>
        %get3A_964 = arith.constant 5 : i32
        %get3A_965 = arith.index_cast %get3A_964 : i32 to index
        %get3A_966 = arith.index_cast %scan3A_874 : i32 to index
        %get3A_967 = arith.constant 16 : index
        %get3A_968 = tpu.vector_load %arg12[%get3A_965, %get3A_966, %get3A_967] {strides = array<i32>} : memref<7x128x64xf32, #tpu.memory_space<vmem>>, vector<1x1x16xf32>,
        %get3A_969 = vector.shape_cast %get3A_968 : vector<1x1x16xf32> to vector<16xf32>
        %add3A_970 = arith.addf %add3A_963, %get3A_969 : vector<16xf32>
        %get3A_971 = arith.constant 6 : i32
        %get3A_972 = arith.index_cast %get3A_971 : i32 to index
        %get3A_973 = arith.index_cast %scan3A_874 : i32 to index
        %get3A_974 = arith.constant 16 : index
        %get3A_975 = tpu.vector_load %arg12[%get3A_972, %get3A_973, %get3A_974] {strides = array<i32>} : memref<7x128x64xf32, #tpu.memory_space<vmem>>, vector<1x1x16xf32>,
        %get3A_976 = vector.shape_cast %get3A_975 : vector<1x1x16xf32> to vector<16xf32>
        %add3A_977 = arith.addf %add3A_970, %get3A_976 : vector<16xf32>
        %swap3A_978 = arith.constant 0 : i32
        %swap3A_979 = arith.index_cast %swap3A_978 : i32 to index
        %swap3A_980 = arith.index_cast %scan3A_874 : i32 to index
        %swap3A_981 = arith.constant 16 : index
        %swap3A_982 = tpu.vector_load %arg12[%swap3A_979, %swap3A_980, %swap3A_981] {strides = array<i32>} : memref<7x128x64xf32, #tpu.memory_space<vmem>>, vector<1x1x16xf32>,
        %swap3A_983 = vector.shape_cast %swap3A_982 : vector<1x1x16xf32> to vector<16xf32>
        %swap3A_984 = vector.shape_cast %add3A_977 : vector<16xf32> to vector<1x1x16xf32>
        tpu.vector_store %arg12[%swap3A_979, %swap3A_980, %swap3A_981], %swap3A_984 {strides = array<i32>} : memref<7x128x64xf32, #tpu.memory_space<vmem>>, vector<1x1x16xf32>,
        %get3A_985 = arith.constant 0 : i32
        %get3A_986 = arith.index_cast %get3A_985 : i32 to index
        %get3A_987 = arith.index_cast %scan3A_874 : i32 to index
        %get3A_988 = arith.constant 32 : index
        %get3A_989 = tpu.vector_load %arg12[%get3A_986, %get3A_987, %get3A_988] {strides = array<i32>} : memref<7x128x64xf32, #tpu.memory_space<vmem>>, vector<1x1x16xf32>,
        %get3A_990 = vector.shape_cast %get3A_989 : vector<1x1x16xf32> to vector<16xf32>
        %get3A_991 = arith.constant 1 : i32
        %get3A_992 = arith.index_cast %get3A_991 : i32 to index
        %get3A_993 = arith.index_cast %scan3A_874 : i32 to index
        %get3A_994 = arith.constant 32 : index
        %get3A_995 = tpu.vector_load %arg12[%get3A_992, %get3A_993, %get3A_994] {strides = array<i32>} : memref<7x128x64xf32, #tpu.memory_space<vmem>>, vector<1x1x16xf32>,
        %get3A_996 = vector.shape_cast %get3A_995 : vector<1x1x16xf32> to vector<16xf32>
        %add3A_997 = arith.addf %get3A_990, %get3A_996 : vector<16xf32>
        %get3A_998 = arith.constant 2 : i32
        %get3A_999 = arith.index_cast %get3A_998 : i32 to index
        %get3A_1000 = arith.index_cast %scan3A_874 : i32 to index
        %get3A_1001 = arith.constant 32 : index
        %get3A_1002 = tpu.vector_load %arg12[%get3A_999, %get3A_1000, %get3A_1001] {strides = array<i32>} : memref<7x128x64xf32, #tpu.memory_space<vmem>>, vector<1x1x16xf32>,
        %get3A_1003 = vector.shape_cast %get3A_1002 : vector<1x1x16xf32> to vector<16xf32>
        %add3A_1004 = arith.addf %add3A_997, %get3A_1003 : vector<16xf32>
        %get3A_1005 = arith.constant 3 : i32
        %get3A_1006 = arith.index_cast %get3A_1005 : i32 to index
        %get3A_1007 = arith.index_cast %scan3A_874 : i32 to index
        %get3A_1008 = arith.constant 32 : index
        %get3A_1009 = tpu.vector_load %arg12[%get3A_1006, %get3A_1007, %get3A_1008] {strides = array<i32>} : memref<7x128x64xf32, #tpu.memory_space<vmem>>, vector<1x1x16xf32>,
        %get3A_1010 = vector.shape_cast %get3A_1009 : vector<1x1x16xf32> to vector<16xf32>
        %add3A_1011 = arith.addf %add3A_1004, %get3A_1010 : vector<16xf32>
        %get3A_1012 = arith.constant 4 : i32
        %get3A_1013 = arith.index_cast %get3A_1012 : i32 to index
        %get3A_1014 = arith.index_cast %scan3A_874 : i32 to index
        %get3A_1015 = arith.constant 32 : index
        %get3A_1016 = tpu.vector_load %arg12[%get3A_1013, %get3A_1014, %get3A_1015] {strides = array<i32>} : memref<7x128x64xf32, #tpu.memory_space<vmem>>, vector<1x1x16xf32>,
        %get3A_1017 = vector.shape_cast %get3A_1016 : vector<1x1x16xf32> to vector<16xf32>
        %add3A_1018 = arith.addf %add3A_1011, %get3A_1017 : vector<16xf32>
        %get3A_1019 = arith.constant 5 : i32
        %get3A_1020 = arith.index_cast %get3A_1019 : i32 to index
        %get3A_1021 = arith.index_cast %scan3A_874 : i32 to index
        %get3A_1022 = arith.constant 32 : index
        %get3A_1023 = tpu.vector_load %arg12[%get3A_1020, %get3A_1021, %get3A_1022] {strides = array<i32>} : memref<7x128x64xf32, #tpu.memory_space<vmem>>, vector<1x1x16xf32>,
        %get3A_1024 = vector.shape_cast %get3A_1023 : vector<1x1x16xf32> to vector<16xf32>
        %add3A_1025 = arith.addf %add3A_1018, %get3A_1024 : vector<16xf32>
        %get3A_1026 = arith.constant 6 : i32
        %get3A_1027 = arith.index_cast %get3A_1026 : i32 to index
        %get3A_1028 = arith.index_cast %scan3A_874 : i32 to index
        %get3A_1029 = arith.constant 32 : index
        %get3A_1030 = tpu.vector_load %arg12[%get3A_1027, %get3A_1028, %get3A_1029] {strides = array<i32>} : memref<7x128x64xf32, #tpu.memory_space<vmem>>, vector<1x1x16xf32>,
        %get3A_1031 = vector.shape_cast %get3A_1030 : vector<1x1x16xf32> to vector<16xf32>
        %add3A_1032 = arith.addf %add3A_1025, %get3A_1031 : vector<16xf32>
        %swap3A_1033 = arith.constant 0 : i32
        %swap3A_1034 = arith.index_cast %swap3A_1033 : i32 to index
        %swap3A_1035 = arith.index_cast %scan3A_874 : i32 to index
        %swap3A_1036 = arith.constant 32 : index
        %swap3A_1037 = tpu.vector_load %arg12[%swap3A_1034, %swap3A_1035, %swap3A_1036] {strides = array<i32>} : memref<7x128x64xf32, #tpu.memory_space<vmem>>, vector<1x1x16xf32>,
        %swap3A_1038 = vector.shape_cast %swap3A_1037 : vector<1x1x16xf32> to vector<16xf32>
        %swap3A_1039 = vector.shape_cast %add3A_1032 : vector<16xf32> to vector<1x1x16xf32>
        tpu.vector_store %arg12[%swap3A_1034, %swap3A_1035, %swap3A_1036], %swap3A_1039 {strides = array<i32>} : memref<7x128x64xf32, #tpu.memory_space<vmem>>, vector<1x1x16xf32>,
        %get3A_1040 = arith.constant 0 : i32
        %get3A_1041 = arith.index_cast %get3A_1040 : i32 to index
        %get3A_1042 = arith.index_cast %scan3A_874 : i32 to index
        %get3A_1043 = arith.constant 48 : index
        %get3A_1044 = tpu.vector_load %arg12[%get3A_1041, %get3A_1042, %get3A_1043] {strides = array<i32>} : memref<7x128x64xf32, #tpu.memory_space<vmem>>, vector<1x1x16xf32>,
        %get3A_1045 = vector.shape_cast %get3A_1044 : vector<1x1x16xf32> to vector<16xf32>
        %get3A_1046 = arith.constant 1 : i32
        %get3A_1047 = arith.index_cast %get3A_1046 : i32 to index
        %get3A_1048 = arith.index_cast %scan3A_874 : i32 to index
        %get3A_1049 = arith.constant 48 : index
        %get3A_1050 = tpu.vector_load %arg12[%get3A_1047, %get3A_1048, %get3A_1049] {strides = array<i32>} : memref<7x128x64xf32, #tpu.memory_space<vmem>>, vector<1x1x16xf32>,
        %get3A_1051 = vector.shape_cast %get3A_1050 : vector<1x1x16xf32> to vector<16xf32>
        %add3A_1052 = arith.addf %get3A_1045, %get3A_1051 : vector<16xf32>
        %get3A_1053 = arith.constant 2 : i32
        %get3A_1054 = arith.index_cast %get3A_1053 : i32 to index
        %get3A_1055 = arith.index_cast %scan3A_874 : i32 to index
        %get3A_1056 = arith.constant 48 : index
        %get3A_1057 = tpu.vector_load %arg12[%get3A_1054, %get3A_1055, %get3A_1056] {strides = array<i32>} : memref<7x128x64xf32, #tpu.memory_space<vmem>>, vector<1x1x16xf32>,
        %get3A_1058 = vector.shape_cast %get3A_1057 : vector<1x1x16xf32> to vector<16xf32>
        %add3A_1059 = arith.addf %add3A_1052, %get3A_1058 : vector<16xf32>
        %get3A_1060 = arith.constant 3 : i32
        %get3A_1061 = arith.index_cast %get3A_1060 : i32 to index
        %get3A_1062 = arith.index_cast %scan3A_874 : i32 to index
        %get3A_1063 = arith.constant 48 : index
        %get3A_1064 = tpu.vector_load %arg12[%get3A_1061, %get3A_1062, %get3A_1063] {strides = array<i32>} : memref<7x128x64xf32, #tpu.memory_space<vmem>>, vector<1x1x16xf32>,
        %get3A_1065 = vector.shape_cast %get3A_1064 : vector<1x1x16xf32> to vector<16xf32>
        %add3A_1066 = arith.addf %add3A_1059, %get3A_1065 : vector<16xf32>
        %get3A_1067 = arith.constant 4 : i32
        %get3A_1068 = arith.index_cast %get3A_1067 : i32 to index
        %get3A_1069 = arith.index_cast %scan3A_874 : i32 to index
        %get3A_1070 = arith.constant 48 : index
        %get3A_1071 = tpu.vector_load %arg12[%get3A_1068, %get3A_1069, %get3A_1070] {strides = array<i32>} : memref<7x128x64xf32, #tpu.memory_space<vmem>>, vector<1x1x16xf32>,
        %get3A_1072 = vector.shape_cast %get3A_1071 : vector<1x1x16xf32> to vector<16xf32>
        %add3A_1073 = arith.addf %add3A_1066, %get3A_1072 : vector<16xf32>
        %get3A_1074 = arith.constant 5 : i32
        %get3A_1075 = arith.index_cast %get3A_1074 : i32 to index
        %get3A_1076 = arith.index_cast %scan3A_874 : i32 to index
        %get3A_1077 = arith.constant 48 : index
        %get3A_1078 = tpu.vector_load %arg12[%get3A_1075, %get3A_1076, %get3A_1077] {strides = array<i32>} : memref<7x128x64xf32, #tpu.memory_space<vmem>>, vector<1x1x16xf32>,
        %get3A_1079 = vector.shape_cast %get3A_1078 : vector<1x1x16xf32> to vector<16xf32>
        %add3A_1080 = arith.addf %add3A_1073, %get3A_1079 : vector<16xf32>
        %get3A_1081 = arith.constant 6 : i32
        %get3A_1082 = arith.index_cast %get3A_1081 : i32 to index
        %get3A_1083 = arith.index_cast %scan3A_874 : i32 to index
        %get3A_1084 = arith.constant 48 : index
        %get3A_1085 = tpu.vector_load %arg12[%get3A_1082, %get3A_1083, %get3A_1084] {strides = array<i32>} : memref<7x128x64xf32, #tpu.memory_space<vmem>>, vector<1x1x16xf32>,
        %get3A_1086 = vector.shape_cast %get3A_1085 : vector<1x1x16xf32> to vector<16xf32>
        %add3A_1087 = arith.addf %add3A_1080, %get3A_1086 : vector<16xf32>
        %swap3A_1088 = arith.constant 0 : i32
        %swap3A_1089 = arith.index_cast %swap3A_1088 : i32 to index
        %swap3A_1090 = arith.index_cast %scan3A_874 : i32 to index
        %swap3A_1091 = arith.constant 48 : index
        %swap3A_1092 = tpu.vector_load %arg12[%swap3A_1089, %swap3A_1090, %swap3A_1091] {strides = array<i32>} : memref<7x128x64xf32, #tpu.memory_space<vmem>>, vector<1x1x16xf32>,
        %swap3A_1093 = vector.shape_cast %swap3A_1092 : vector<1x1x16xf32> to vector<16xf32>
        %swap3A_1094 = vector.shape_cast %add3A_1087 : vector<16xf32> to vector<1x1x16xf32>
        tpu.vector_store %arg12[%swap3A_1089, %swap3A_1090, %swap3A_1091], %swap3A_1094 {strides = array<i32>} : memref<7x128x64xf32, #tpu.memory_space<vmem>>, vector<1x1x16xf32>,
      }
      %scan3A_193 = arith.constant 128 : i32
      %mul3A_194 = arith.constant 128 : i32
      %mul3A_195 = arith.muli %scan3A_29, %mul3A_194 : i32
      %add3A_196 = arith.addi %mul3A_2, %mul3A_195 : i32
      %dma_start3A_197 = arith.constant 0 : i32
      %dma_start3A_198 = arith.constant 0 : i32
      %dma_start3A_199 = arith.constant 0 : i32
      %dma_start3A_200 = tpu.memref_slice %arg12[%dma_start3A_197, %dma_start3A_198, %dma_start3A_199] : memref<7x128x64xf32, #tpu.memory_space<vmem>> -> memref<1x128x64xf32, #tpu.memory_space<vmem>>
      %dma_start3A_201 = tpu.memref_squeeze %dma_start3A_200 : memref<1x128x64xf32, #tpu.memory_space<vmem>> -> memref<128x64xf32, #tpu.memory_space<vmem>>
      %dma_start3A_202 = arith.constant 0 : i32
      %dma_start3A_203 = tpu.memref_slice %arg10[%add3A_196, %dma_start3A_202] : memref<204800x64xf32, #tpu.memory_space<hbm>> -> memref<128x64xf32, #tpu.memory_space<hbm>>
      %dma_start3A_204 = arith.constant 0 : i32
      %dma_start3A_205 = tpu.memref_slice %arg10[%add3A_196, %dma_start3A_204] : memref<204800x64xf32, #tpu.memory_space<hbm>> -> memref<128x64xf32, #tpu.memory_space<hbm>>
      %dma_start3A_206 = arith.constant 0 : i32
      %dma_start3A_207 = arith.constant 0 : i32
      %dma_start3A_208 = tpu.memref_slice %arg12[%dma_start3A_197, %dma_start3A_206, %dma_start3A_207] : memref<7x128x64xf32, #tpu.memory_space<vmem>> -> memref<1x128x64xf32, #tpu.memory_space<vmem>>
      %dma_start3A_209 = tpu.memref_squeeze %dma_start3A_208 : memref<1x128x64xf32, #tpu.memory_space<vmem>> -> memref<128x64xf32, #tpu.memory_space<vmem>>
      tpu.enqueue_dma source(%dma_start3A_209 : memref<128x64xf32, #tpu.memory_space<vmem>>) target(%dma_start3A_205 : memref<128x64xf32, #tpu.memory_space<hbm>>) target_semaphore(%arg14 : memref<!tpu.dma_semaphore, #tpu.memory_space<semaphore_mem>>)
    }
    %scan3A_13 = arith.constant 50 : i32
    %add3A_14 = arith.constant 6272 : i32
    %add3A_15 = arith.addi %mul3A_2, %add3A_14 : i32
    %dma_wait3A_16 = arith.constant 0 : i32
    %dma_wait3A_17 = arith.constant 0 : i32
    %dma_wait3A_18 = arith.constant 0 : i32
    %dma_wait3A_19 = tpu.memref_slice %arg12[%dma_wait3A_16, %dma_wait3A_17, %dma_wait3A_18] : memref<7x128x64xf32, #tpu.memory_space<vmem>> -> memref<1x128x64xf32, #tpu.memory_space<vmem>>
    %dma_wait3A_20 = tpu.memref_squeeze %dma_wait3A_19 : memref<1x128x64xf32, #tpu.memory_space<vmem>> -> memref<128x64xf32, #tpu.memory_space<vmem>>
    %dma_wait3A_21 = arith.constant 0 : i32
    %dma_wait3A_22 = tpu.memref_slice %arg10[%add3A_15, %dma_wait3A_21] : memref<204800x64xf32, #tpu.memory_space<hbm>> -> memref<128x64xf32, #tpu.memory_space<hbm>>
    %dma_wait3A_23 = arith.constant 0 : i32
    %dma_wait3A_24 = tpu.memref_slice %arg10[%add3A_15, %dma_wait3A_23] : memref<204800x64xf32, #tpu.memory_space<hbm>> -> memref<128x64xf32, #tpu.memory_space<hbm>>
    %dma_wait3A_25 = arith.constant 0 : i32
    %dma_wait3A_26 = arith.constant 0 : i32
    %dma_wait3A_27 = tpu.memref_slice %arg12[%dma_wait3A_16, %dma_wait3A_25, %dma_wait3A_26] : memref<7x128x64xf32, #tpu.memory_space<vmem>> -> memref<1x128x64xf32, #tpu.memory_space<vmem>>
    %dma_wait3A_28 = tpu.memref_squeeze %dma_wait3A_27 : memref<1x128x64xf32, #tpu.memory_space<vmem>> -> memref<128x64xf32, #tpu.memory_space<vmem>>
    tpu.wait_dma2 semaphore(%arg14 : memref<!tpu.dma_semaphore, #tpu.memory_space<semaphore_mem>>) src(%dma_wait3A_28 : memref<128x64xf32, #tpu.memory_space<vmem>>) dst(%dma_wait3A_24 : memref<128x64xf32, #tpu.memory_space<hbm>>)
    return
  }
}

module attributes {stable_mosaic.version = 14 : i64} {
  func.func @_fold_body(%arg0: memref<3x21xf32, #tpu.memory_space<vmem>>, %arg1: memref<3x10xf32, #tpu.memory_space<vmem>>, %arg2: memref<9x3xf32, #tpu.memory_space<vmem>>, %arg3: memref<9x3xf32, #tpu.memory_space<vmem>>, %arg4: memref<1539x21xf32, #tpu.memory_space<vmem>>, %arg5: memref<9456x21xf32, #tpu.memory_space<vmem>>, %arg6: memref<914x21xf32, #tpu.memory_space<vmem>>, %arg7: memref<1001x115xf32, #tpu.memory_space<vmem>>, %arg8: memref<1001x100xf32, #tpu.memory_space<vmem>>, %arg9: memref<486x64xf32, #tpu.memory_space<vmem>>, %arg10: memref<204800xi32, #tpu.memory_space<vmem>>, %arg11: memref<204800xi32, #tpu.memory_space<vmem>>, %arg12: memref<204800xi32, #tpu.memory_space<vmem>>, %arg13: memref<204800xi32, #tpu.memory_space<vmem>>, %arg14: memref<204800xi32, #tpu.memory_space<vmem>>, %arg15: memref<204800xi32, #tpu.memory_space<vmem>>, %arg16: memref<204800xi32, #tpu.memory_space<vmem>>, %arg17: memref<204800xi32, #tpu.memory_space<vmem>>, %arg18: memref<204800xi32, #tpu.memory_space<vmem>>, %arg19: memref<8226x64xf32, #tpu.memory_space<vmem>>, %arg20: memref<1539x64xf32, #tpu.memory_space<vmem>>, %arg21: memref<9456x64xf32, #tpu.memory_space<vmem>>, %arg22: memref<1001x64xf32, #tpu.memory_space<vmem>>, %arg23: memref<1001x64xf32, #tpu.memory_space<vmem>>, %arg24: memref<1001x64xf32, #tpu.memory_space<vmem>>, %arg25: memref<7x204800xi32, #tpu.memory_space<vmem>>) attributes {dimension_semantics = [], scalar_prefetch = 0 : i64, scratch_operands = 0 : i64, tpu.core_type = #tpu.core_type<tc>} {
    %get3A = arith.constant 0 : index
    %get3A_0 = arith.constant 0 : index
    %get3A_1 = vector.load %arg9[%get3A, %get3A_0] : memref<486x64xf32, #tpu.memory_space<vmem>>, vector<486x64xf32>
    %get3A_2 = arith.constant 0 : index
    %get3A_3 = arith.constant 0 : index
    %get3A_4 = vector.load %arg0[%get3A_2, %get3A_3] : memref<3x21xf32, #tpu.memory_space<vmem>>, vector<3x21xf32>
    %slice3A = vector.extract_strided_slice %get3A_1 {offsets = [0, 0], sizes = [21, 64], strides = [1, 1]} : vector<486x64xf32> to vector<21x64xf32>
    %dot_general3A = arith.constant dense<0.000000e+00> : vector<3x64xf32>
    %dot_general3A_5 = tpu.matmul %get3A_4, %slice3A, %dot_general3A {dimension_numbers = #tpu.dot_dimension_numbers<[1], [0], [0], [1], [0, 0, 1, 1], [], []>, transpose_lhs_hint = false} : vector<3x21xf32>, vector<21x64xf32>, vector<3x64xf32> -> vector<3x64xf32>
    %get3A_6 = arith.constant 0 : index
    %get3A_7 = arith.constant 0 : index
    %get3A_8 = vector.load %arg1[%get3A_6, %get3A_7] : memref<3x10xf32, #tpu.memory_space<vmem>>, vector<3x10xf32>
    %slice3A_9 = vector.extract_strided_slice %get3A_1 {offsets = [474, 0], sizes = [10, 64], strides = [1, 1]} : vector<486x64xf32> to vector<10x64xf32>
    %dot_general3A_10 = arith.constant dense<0.000000e+00> : vector<3x64xf32>
    %dot_general3A_11 = tpu.matmul %get3A_8, %slice3A_9, %dot_general3A_10 {dimension_numbers = #tpu.dot_dimension_numbers<[1], [0], [0], [1], [0, 0, 1, 1], [], []>, transpose_lhs_hint = false} : vector<3x10xf32>, vector<10x64xf32>, vector<3x64xf32> -> vector<3x64xf32>
    %get3A_12 = arith.constant 0 : index
    %get3A_13 = arith.constant 0 : index
    %get3A_14 = vector.load %arg2[%get3A_12, %get3A_13] : memref<9x3xf32, #tpu.memory_space<vmem>>, vector<9x3xf32>
    %dot_general3A_15 = arith.constant dense<0.000000e+00> : vector<9x64xf32>
    %dot_general3A_16 = tpu.matmul %get3A_14, %dot_general3A_5, %dot_general3A_15 {dimension_numbers = #tpu.dot_dimension_numbers<[1], [0], [0], [1], [0, 0, 1, 1], [], []>, transpose_lhs_hint = false} : vector<9x3xf32>, vector<3x64xf32>, vector<9x64xf32> -> vector<9x64xf32>
    %get3A_17 = arith.constant 0 : index
    %get3A_18 = arith.constant 0 : index
    %get3A_19 = vector.load %arg3[%get3A_17, %get3A_18] : memref<9x3xf32, #tpu.memory_space<vmem>>, vector<9x3xf32>
    %dot_general3A_20 = arith.constant dense<0.000000e+00> : vector<9x64xf32>
    %dot_general3A_21 = tpu.matmul %get3A_19, %dot_general3A_11, %dot_general3A_20 {dimension_numbers = #tpu.dot_dimension_numbers<[1], [0], [0], [1], [0, 0, 1, 1], [], []>, transpose_lhs_hint = false} : vector<9x3xf32>, vector<3x64xf32>, vector<9x64xf32> -> vector<9x64xf32>
    %add3A = arith.addf %dot_general3A_16, %dot_general3A_21 : vector<9x64xf32>
    %get3A_22 = arith.constant 0 : index
    %get3A_23 = arith.constant 0 : index
    %get3A_24 = vector.load %arg6[%get3A_22, %get3A_23] : memref<914x21xf32, #tpu.memory_space<vmem>>, vector<914x21xf32>
    %slice3A_25 = vector.extract_strided_slice %get3A_1 {offsets = [63, 0], sizes = [21, 64], strides = [1, 1]} : vector<486x64xf32> to vector<21x64xf32>
    %dot_general3A_26 = arith.constant dense<0.000000e+00> : vector<914x64xf32>
    %dot_general3A_27 = tpu.matmul %get3A_24, %slice3A_25, %dot_general3A_26 {dimension_numbers = #tpu.dot_dimension_numbers<[1], [0], [0], [1], [0, 0, 1, 1], [], []>, transpose_lhs_hint = false} : vector<914x21xf32>, vector<21x64xf32>, vector<914x64xf32> -> vector<914x64xf32>
    %broadcast_in_dim3A = vector.shape_cast %add3A : vector<9x64xf32> to vector<9x1x64xf32>
    %broadcast_in_dim3A_28 = vector.shape_cast %dot_general3A_27 : vector<914x64xf32> to vector<1x914x64xf32>
    %add3A_29 = vector.broadcast %broadcast_in_dim3A : vector<9x1x64xf32> to vector<9x914x64xf32>
    %add3A_30 = vector.broadcast %broadcast_in_dim3A_28 : vector<1x914x64xf32> to vector<9x914x64xf32>
    %add3A_31 = arith.addf %add3A_29, %add3A_30 : vector<9x914x64xf32>
    %reshape3A = vector.shape_cast %add3A_31 : vector<9x914x64xf32> to vector<8226x64xf32>
    %swap3A = arith.constant 0 : index
    %swap3A_32 = arith.constant 0 : index
    %swap3A_33 = vector.load %arg19[%swap3A, %swap3A_32] : memref<8226x64xf32, #tpu.memory_space<vmem>>, vector<8226x64xf32>
    tpu.vector_store %arg19[%swap3A, %swap3A_32], %reshape3A {strides = array<i32>} : memref<8226x64xf32, #tpu.memory_space<vmem>>, vector<8226x64xf32>,
    %get3A_34 = arith.constant 0 : index
    %get3A_35 = arith.constant 0 : index
    %get3A_36 = vector.load %arg4[%get3A_34, %get3A_35] : memref<1539x21xf32, #tpu.memory_space<vmem>>, vector<1539x21xf32>
    %slice3A_37 = vector.extract_strided_slice %get3A_1 {offsets = [21, 0], sizes = [21, 64], strides = [1, 1]} : vector<486x64xf32> to vector<21x64xf32>
    %dot_general3A_38 = arith.constant dense<0.000000e+00> : vector<1539x64xf32>
    %dot_general3A_39 = tpu.matmul %get3A_36, %slice3A_37, %dot_general3A_38 {dimension_numbers = #tpu.dot_dimension_numbers<[1], [0], [0], [1], [0, 0, 1, 1], [], []>, transpose_lhs_hint = false} : vector<1539x21xf32>, vector<21x64xf32>, vector<1539x64xf32> -> vector<1539x64xf32>
    %swap3A_40 = arith.constant 0 : index
    %swap3A_41 = arith.constant 0 : index
    %swap3A_42 = vector.load %arg20[%swap3A_40, %swap3A_41] : memref<1539x64xf32, #tpu.memory_space<vmem>>, vector<1539x64xf32>
    tpu.vector_store %arg20[%swap3A_40, %swap3A_41], %dot_general3A_39 {strides = array<i32>} : memref<1539x64xf32, #tpu.memory_space<vmem>>, vector<1539x64xf32>,
    %get3A_43 = arith.constant 0 : index
    %get3A_44 = arith.constant 0 : index
    %get3A_45 = vector.load %arg5[%get3A_43, %get3A_44] : memref<9456x21xf32, #tpu.memory_space<vmem>>, vector<9456x21xf32>
    %slice3A_46 = vector.extract_strided_slice %get3A_1 {offsets = [42, 0], sizes = [21, 64], strides = [1, 1]} : vector<486x64xf32> to vector<21x64xf32>
    %dot_general3A_47 = arith.constant dense<0.000000e+00> : vector<9456x64xf32>
    %dot_general3A_48 = tpu.matmul %get3A_45, %slice3A_46, %dot_general3A_47 {dimension_numbers = #tpu.dot_dimension_numbers<[1], [0], [0], [1], [0, 0, 1, 1], [], []>, transpose_lhs_hint = false} : vector<9456x21xf32>, vector<21x64xf32>, vector<9456x64xf32> -> vector<9456x64xf32>
    %swap3A_49 = arith.constant 0 : index
    %swap3A_50 = arith.constant 0 : index
    %swap3A_51 = vector.load %arg21[%swap3A_49, %swap3A_50] : memref<9456x64xf32, #tpu.memory_space<vmem>>, vector<9456x64xf32>
    tpu.vector_store %arg21[%swap3A_49, %swap3A_50], %dot_general3A_48 {strides = array<i32>} : memref<9456x64xf32, #tpu.memory_space<vmem>>, vector<9456x64xf32>,
    %get3A_52 = arith.constant 0 : index
    %get3A_53 = arith.constant 0 : index
    %get3A_54 = vector.load %arg7[%get3A_52, %get3A_53] : memref<1001x115xf32, #tpu.memory_space<vmem>>, vector<1001x115xf32>
    %slice3A_55 = vector.extract_strided_slice %get3A_1 {offsets = [85, 0], sizes = [115, 64], strides = [1, 1]} : vector<486x64xf32> to vector<115x64xf32>
    %dot_general3A_56 = arith.constant dense<0.000000e+00> : vector<1001x64xf32>
    %dot_general3A_57 = tpu.matmul %get3A_54, %slice3A_55, %dot_general3A_56 {dimension_numbers = #tpu.dot_dimension_numbers<[1], [0], [0], [1], [0, 0, 1, 1], [], []>, transpose_lhs_hint = false} : vector<1001x115xf32>, vector<115x64xf32>, vector<1001x64xf32> -> vector<1001x64xf32>
    %swap3A_58 = arith.constant 0 : index
    %swap3A_59 = arith.constant 0 : index
    %swap3A_60 = vector.load %arg22[%swap3A_58, %swap3A_59] : memref<1001x64xf32, #tpu.memory_space<vmem>>, vector<1001x64xf32>
    tpu.vector_store %arg22[%swap3A_58, %swap3A_59], %dot_general3A_57 {strides = array<i32>} : memref<1001x64xf32, #tpu.memory_space<vmem>>, vector<1001x64xf32>,
    %get3A_61 = arith.constant 0 : index
    %get3A_62 = arith.constant 0 : index
    %get3A_63 = vector.load %arg7[%get3A_61, %get3A_62] : memref<1001x115xf32, #tpu.memory_space<vmem>>, vector<1001x115xf32>
    %slice3A_64 = vector.extract_strided_slice %get3A_1 {offsets = [200, 0], sizes = [115, 64], strides = [1, 1]} : vector<486x64xf32> to vector<115x64xf32>
    %dot_general3A_65 = arith.constant dense<0.000000e+00> : vector<1001x64xf32>
    %dot_general3A_66 = tpu.matmul %get3A_63, %slice3A_64, %dot_general3A_65 {dimension_numbers = #tpu.dot_dimension_numbers<[1], [0], [0], [1], [0, 0, 1, 1], [], []>, transpose_lhs_hint = false} : vector<1001x115xf32>, vector<115x64xf32>, vector<1001x64xf32> -> vector<1001x64xf32>
    %swap3A_67 = arith.constant 0 : index
    %swap3A_68 = arith.constant 0 : index
    %swap3A_69 = vector.load %arg23[%swap3A_67, %swap3A_68] : memref<1001x64xf32, #tpu.memory_space<vmem>>, vector<1001x64xf32>
    tpu.vector_store %arg23[%swap3A_67, %swap3A_68], %dot_general3A_66 {strides = array<i32>} : memref<1001x64xf32, #tpu.memory_space<vmem>>, vector<1001x64xf32>,
    %get3A_70 = arith.constant 0 : index
    %get3A_71 = arith.constant 0 : index
    %get3A_72 = vector.load %arg8[%get3A_70, %get3A_71] : memref<1001x100xf32, #tpu.memory_space<vmem>>, vector<1001x100xf32>
    %slice3A_73 = vector.extract_strided_slice %get3A_1 {offsets = [315, 0], sizes = [100, 64], strides = [1, 1]} : vector<486x64xf32> to vector<100x64xf32>
    %dot_general3A_74 = arith.constant dense<0.000000e+00> : vector<1001x64xf32>
    %dot_general3A_75 = tpu.matmul %get3A_72, %slice3A_73, %dot_general3A_74 {dimension_numbers = #tpu.dot_dimension_numbers<[1], [0], [0], [1], [0, 0, 1, 1], [], []>, transpose_lhs_hint = false} : vector<1001x100xf32>, vector<100x64xf32>, vector<1001x64xf32> -> vector<1001x64xf32>
    %swap3A_76 = arith.constant 0 : index
    %swap3A_77 = arith.constant 0 : index
    %swap3A_78 = vector.load %arg24[%swap3A_76, %swap3A_77] : memref<1001x64xf32, #tpu.memory_space<vmem>>, vector<1001x64xf32>
    tpu.vector_store %arg24[%swap3A_76, %swap3A_77], %dot_general3A_75 {strides = array<i32>} : memref<1001x64xf32, #tpu.memory_space<vmem>>, vector<1001x64xf32>,
    %get3A_79 = arith.constant 0 : index
    %get3A_80 = vector.load %arg10[%get3A_79] : memref<204800xi32, #tpu.memory_space<vmem>>, vector<204800xi32>
    %mul3A = arith.constant 3 : i32
    %mul3A_81 = vector.broadcast %mul3A : i32 to vector<204800xi32>
    %mul3A_82 = arith.muli %get3A_80, %mul3A_81 : vector<204800xi32>
    %get3A_83 = arith.constant 0 : index
    %get3A_84 = vector.load %arg11[%get3A_83] : memref<204800xi32, #tpu.memory_space<vmem>>, vector<204800xi32>
    %add3A_85 = arith.addi %mul3A_82, %get3A_84 : vector<204800xi32>
    %mul3A_86 = arith.constant 914 : i32
    %mul3A_87 = vector.broadcast %mul3A_86 : i32 to vector<204800xi32>
    %mul3A_88 = arith.muli %add3A_85, %mul3A_87 : vector<204800xi32>
    %get3A_89 = arith.constant 0 : index
    %get3A_90 = vector.load %arg14[%get3A_89] : memref<204800xi32, #tpu.memory_space<vmem>>, vector<204800xi32>
    %add3A_91 = arith.addi %mul3A_88, %get3A_90 : vector<204800xi32>
    %get3A_92 = arith.constant 0 : index
    %get3A_93 = vector.load %arg12[%get3A_92] : memref<204800xi32, #tpu.memory_space<vmem>>, vector<204800xi32>
    %get3A_94 = arith.constant 0 : index
    %get3A_95 = vector.load %arg13[%get3A_94] : memref<204800xi32, #tpu.memory_space<vmem>>, vector<204800xi32>
    %get3A_96 = arith.constant 0 : index
    %get3A_97 = vector.load %arg15[%get3A_96] : memref<204800xi32, #tpu.memory_space<vmem>>, vector<204800xi32>
    %get3A_98 = arith.constant 0 : index
    %get3A_99 = vector.load %arg16[%get3A_98] : memref<204800xi32, #tpu.memory_space<vmem>>, vector<204800xi32>
    %get3A_100 = arith.constant 0 : index
    %get3A_101 = vector.load %arg17[%get3A_100] : memref<204800xi32, #tpu.memory_space<vmem>>, vector<204800xi32>
    %get3A_102 = arith.constant 0 : index
    %get3A_103 = vector.load %arg18[%get3A_102] : memref<204800xi32, #tpu.memory_space<vmem>>, vector<204800xi32>
    %stack3A = vector.shape_cast %add3A_91 : vector<204800xi32> to vector<1x204800xi32>
    %stack3A_104 = vector.shape_cast %get3A_93 : vector<204800xi32> to vector<1x204800xi32>
    %stack3A_105 = vector.shape_cast %get3A_95 : vector<204800xi32> to vector<1x204800xi32>
    %stack3A_106 = vector.shape_cast %get3A_97 : vector<204800xi32> to vector<1x204800xi32>
    %stack3A_107 = vector.shape_cast %get3A_99 : vector<204800xi32> to vector<1x204800xi32>
    %stack3A_108 = vector.shape_cast %get3A_101 : vector<204800xi32> to vector<1x204800xi32>
    %stack3A_109 = vector.shape_cast %get3A_103 : vector<204800xi32> to vector<1x204800xi32>
    %stack3A_110 = tpu.concatenate %stack3A, %stack3A_104, %stack3A_105, %stack3A_106, %stack3A_107, %stack3A_108, %stack3A_109 in 0 : vector<1x204800xi32>, vector<1x204800xi32>, vector<1x204800xi32>, vector<1x204800xi32>, vector<1x204800xi32>, vector<1x204800xi32>, vector<1x204800xi32> -> vector<7x204800xi32>
    %swap3A_111 = arith.constant 0 : index
    %swap3A_112 = arith.constant 0 : index
    %swap3A_113 = vector.load %arg25[%swap3A_111, %swap3A_112] : memref<7x204800xi32, #tpu.memory_space<vmem>>, vector<7x204800xi32>
    tpu.vector_store %arg25[%swap3A_111, %swap3A_112], %stack3A_110 {strides = array<i32>} : memref<7x204800xi32, #tpu.memory_space<vmem>>, vector<7x204800xi32>,
    return
  }
}

module attributes {stable_mosaic.version = 14 : i64} {
  func.func @_project_body(%arg0: i32, %arg1: memref<8192x50xf32, #tpu.memory_space<vmem>>, %arg2: memref<50x64xf32, #tpu.memory_space<vmem>>, %arg3: memref<8192x64xf32, #tpu.memory_space<vmem>>) attributes {dimension_semantics = [#tpu.dimension_semantics<arbitrary>], iteration_bounds = array<i64: 112>, scalar_prefetch = 0 : i64, scratch_operands = 0 : i64, tpu.core_type = #tpu.core_type<tc>, window_params = [{transform_indices = @transform_0, window_bounds = array<i64: 8192, 50>}, {pipeline_mode = #tpu.pipeline_mode<synchronous>, transform_indices = @transform_1, window_bounds = array<i64: 50, 64>}, {transform_indices = @transform_2, window_bounds = array<i64: 8192, 64>}]} {
    %get3A = arith.constant 0 : index
    %get3A_0 = arith.constant 0 : index
    %get3A_1 = vector.load %arg1[%get3A, %get3A_0] : memref<8192x50xf32, #tpu.memory_space<vmem>>, vector<8192x50xf32>
    %get3A_2 = arith.constant 0 : index
    %get3A_3 = arith.constant 0 : index
    %get3A_4 = vector.load %arg2[%get3A_2, %get3A_3] : memref<50x64xf32, #tpu.memory_space<vmem>>, vector<50x64xf32>
    %dot_general3A = arith.constant dense<0.000000e+00> : vector<8192x64xf32>
    %dot_general3A_5 = tpu.matmul %get3A_1, %get3A_4, %dot_general3A {dimension_numbers = #tpu.dot_dimension_numbers<[1], [0], [0], [1], [0, 0, 1, 1], [], []>, transpose_lhs_hint = false} : vector<8192x50xf32>, vector<50x64xf32>, vector<8192x64xf32> -> vector<8192x64xf32>
    %swap3A = arith.constant 0 : index
    %swap3A_6 = arith.constant 0 : index
    %swap3A_7 = vector.load %arg3[%swap3A, %swap3A_6] : memref<8192x64xf32, #tpu.memory_space<vmem>>, vector<8192x64xf32>
    tpu.vector_store %arg3[%swap3A, %swap3A_6], %dot_general3A_5 {strides = array<i32>} : memref<8192x64xf32, #tpu.memory_space<vmem>>, vector<8192x64xf32>,
    return
  }
  func.func @transform_0(%arg0: i32) -> (i32, i32) {
    %c0_i32 = arith.constant 0 : i32
    %c0_i32_0 = arith.constant 0 : i32
    return %arg0, %c0_i32 : i32, i32
  }
  func.func @transform_1(%arg0: i32) -> (i32, i32) {
    %c0_i32 = arith.constant 0 : i32
    %c0_i32_0 = arith.constant 0 : i32
    %c0_i32_1 = arith.constant 0 : i32
    return %c0_i32, %c0_i32_0 : i32, i32
  }
  func.func @transform_2(%arg0: i32) -> (i32, i32) {
    %c0_i32 = arith.constant 0 : i32
    %c0_i32_0 = arith.constant 0 : i32
    return %arg0, %c0_i32 : i32, i32
  }
}

module attributes {stable_mosaic.version = 14 : i64} {
  func.func @_combine_body(%arg0: i32, %arg1: memref<2048x64xf32, #tpu.memory_space<vmem>>, %arg2: memref<2048x12xf32, #tpu.memory_space<vmem>>, %arg3: memref<12x64xf32, #tpu.memory_space<vmem>>, %arg4: memref<1x64xf32, #tpu.memory_space<vmem>>, %arg5: memref<2048x64xf32, #tpu.memory_space<vmem>>) attributes {dimension_semantics = [#tpu.dimension_semantics<arbitrary>], iteration_bounds = array<i64: 100>, scalar_prefetch = 0 : i64, scratch_operands = 0 : i64, tpu.core_type = #tpu.core_type<tc>, window_params = [{transform_indices = @transform_0, window_bounds = array<i64: 2048, 64>}, {transform_indices = @transform_1, window_bounds = array<i64: 2048, 12>}, {pipeline_mode = #tpu.pipeline_mode<synchronous>, transform_indices = @transform_2, window_bounds = array<i64: 12, 64>}, {pipeline_mode = #tpu.pipeline_mode<synchronous>, transform_indices = @transform_3, window_bounds = array<i64: 1, 64>}, {transform_indices = @transform_4, window_bounds = array<i64: 2048, 64>}]} {
    %get3A = arith.constant 0 : index
    %get3A_0 = arith.constant 0 : index
    %get3A_1 = vector.load %arg1[%get3A, %get3A_0] : memref<2048x64xf32, #tpu.memory_space<vmem>>, vector<2048x64xf32>
    %get3A_2 = arith.constant 0 : index
    %get3A_3 = arith.constant 0 : index
    %get3A_4 = vector.load %arg2[%get3A_2, %get3A_3] : memref<2048x12xf32, #tpu.memory_space<vmem>>, vector<2048x12xf32>
    %get3A_5 = arith.constant 0 : index
    %get3A_6 = arith.constant 0 : index
    %get3A_7 = vector.load %arg3[%get3A_5, %get3A_6] : memref<12x64xf32, #tpu.memory_space<vmem>>, vector<12x64xf32>
    %dot_general3A = arith.constant dense<0.000000e+00> : vector<2048x64xf32>
    %dot_general3A_8 = tpu.matmul %get3A_4, %get3A_7, %dot_general3A {dimension_numbers = #tpu.dot_dimension_numbers<[1], [0], [0], [1], [0, 0, 1, 1], [], []>, transpose_lhs_hint = false} : vector<2048x12xf32>, vector<12x64xf32>, vector<2048x64xf32> -> vector<2048x64xf32>
    %add3A = arith.addf %get3A_1, %dot_general3A_8 : vector<2048x64xf32>
    %get3A_9 = arith.constant 0 : index
    %get3A_10 = arith.constant 0 : index
    %get3A_11 = vector.load %arg4[%get3A_9, %get3A_10] : memref<1x64xf32, #tpu.memory_space<vmem>>, vector<1x64xf32>
    %add3A_12 = vector.broadcast %get3A_11 : vector<1x64xf32> to vector<2048x64xf32>
    %add3A_13 = arith.addf %add3A, %add3A_12 : vector<2048x64xf32>
    %swap3A = arith.constant 0 : index
    %swap3A_14 = arith.constant 0 : index
    %swap3A_15 = vector.load %arg5[%swap3A, %swap3A_14] : memref<2048x64xf32, #tpu.memory_space<vmem>>, vector<2048x64xf32>
    tpu.vector_store %arg5[%swap3A, %swap3A_14], %add3A_13 {strides = array<i32>} : memref<2048x64xf32, #tpu.memory_space<vmem>>, vector<2048x64xf32>,
    return
  }
  func.func @transform_0(%arg0: i32) -> (i32, i32) {
    %c0_i32 = arith.constant 0 : i32
    %c0_i32_0 = arith.constant 0 : i32
    return %arg0, %c0_i32 : i32, i32
  }
  func.func @transform_1(%arg0: i32) -> (i32, i32) {
    %c0_i32 = arith.constant 0 : i32
    %c0_i32_0 = arith.constant 0 : i32
    return %arg0, %c0_i32 : i32, i32
  }
  func.func @transform_2(%arg0: i32) -> (i32, i32) {
    %c0_i32 = arith.constant 0 : i32
    %c0_i32_0 = arith.constant 0 : i32
    %c0_i32_1 = arith.constant 0 : i32
    return %c0_i32, %c0_i32_0 : i32, i32
  }
  func.func @transform_3(%arg0: i32) -> (i32, i32) {
    %c0_i32 = arith.constant 0 : i32
    %c0_i32_0 = arith.constant 0 : i32
    %c0_i32_1 = arith.constant 0 : i32
    return %c0_i32, %c0_i32_0 : i32, i32
  }
  func.func @transform_4(%arg0: i32) -> (i32, i32) {
    %c0_i32 = arith.constant 0 : i32
    %c0_i32_0 = arith.constant 0 : i32
    return %arg0, %c0_i32 : i32, i32
  }
}

</mosaic_0001>

<sc_bundles>
// kernel: kernel.6.cloned.1.call-start
scs
__scs_entry_jumppad:
0x0: {  	(pc) =	sbr.rel $0x88, $3  }
0x1: {  	(tag) =	ssettag $0x0;
	lr =	simm.s32 $0x1  }
0x2: {  	[smem:$0x3F82] =	sst lr;
	_ =	strace $0xD0000000  }
0x3: {  	_ = 	snop  }
0x4: {  	_ = 	snop  }
0x5: {  	_ = 	snop  }
0x6: {  	_ = 	snop  }
0x7: {  	_ = 	snop  }
__scs_overlays_trampoline_lowered:
0x8: {  	[smem:$0x3F91] =	sst s0  }
0x9: {  	[smem:$0x3F92] =	sst s1  }
0xa: {  	[smem:$0x3F93] =	sst s2  }
0xb: {  	[smem:$0x3F94] =	sst s3  }
0xc: {  	[smem:$0x3F95] =	sst s4  }
0xd: {  	[smem:$0x3F96] =	sst s5  }
0xe: {  	[smem:$0x3F97] =	sst s6  }
0xf: {  	[smem:$0x3F98] =	sst s7  }
0x10: {  	[smem:$0x3F99] =	sst s8  }
0x11: {  	[smem:$0x3F9A] =	sst s9;
	s0 =	simm.s32 @!p0 $0x0  }
0x12: {  	s1 =	sld [smem:$0x3F80];
	s0 =	simm.s32 @p0 $0x1  }
0x13: {  	[smem:$0x3F9B] =	sst s0;
	s0 =	simm.s32 @!p1 $0x0  }
0x14: {  	s2 =	sld [smem:$0x3F7F];
	s0 =	simm.s32 @p1 $0x1  }
0x15: {  	[smem:$0x3F9C] =	sst s0;
	s0 =	simm.s32 @!p2 $0x0  }
0x16: {  	s3 =	sld [smem:$0x3FDB];
	s0 =	simm.s32 @p2 $0x1  }
0x17: {  	s4 =	simm.s32 $0x1BF5;
	[smem:$0x3F9E] =	sst s0  }
0x18: {  	s0 =	sld [smem:$0x3F81];
	_ =	swait.ge [sflag:s4], $0x0  }
0x19: {  	s7 =	sld [smem:$0x3F82]  }
0x1a: {  	s8 =	sadd.s32 $0xFFFFE003, lr  }
0x1b: {  	s9 =	sadd.s32 $0xFFFFFEF7, lr;
	s5 =	simm.s32 $0xFFFFFFFF;
	p2 =	slt.u32 s8, $0xFFFFF086  }
0x1c: {  	p1 =	slt.u32 s9, $0xF7A;
	s5 =	simm.s32 @!p2 $0x0  }
0x1d: {  	s5 =	simm.s32 @p1 $0x1;
	p0 =	seq.s32 s7, s2  }
0x1e: {  	s7 =	smul.u32 @!p0 $0xF7A, s2;
	p2 =	seq.s32 @!p0 s5, $0x0  }
0x1f: {  	s9 =	smul.u32 $0xF7A, s1;
	s8 =	simm.s32 @!p0 $0x1BF5;
	p2 =	por !p2, p0  }
0x20: {  	[sflag:s8] =	ssyncset.s32 @!p0 $0xFFFFF086;
	s6 =	sadd.s32 @!p0 s3, s7;
	s7 =	simm.s32 @!p0 $0x108  }
0x21: {  	s3 =	sadd.s32 s3, s9;
	s6 =	sadd.s32 @!p0 $0x88, s6;
	s7 =	simm.s32 @p2 $0x1082  }
0x22: {  	[simem:s7], [sflag:s8] =	dma.local @!p0 [hbm:s6], $0xF7A  }
0x23: {  	s9 =	sor.u32 $0xD0000000, s2;
	s6 =	simm.s32 $0x108;
	_ =	swait.ge @!p0 [sflag:s8], $0x0  }
0x24: {  	s3 =	sadd.s32 $0x88, s3;
	s6 =	simm.s32 @!p1 $0x1082;
	[sflag:s4] =	ssyncset.s32 $0xFFFFF086  }
0x25: {  	[simem:s6], [sflag:s4] =	dma.local [hbm:s3], $0xF7A  }
0x26: {  	[smem:$0x3F82] =	sst s1;
	(tag) =	ssettag s2;
	_ =	strace s9  }
0x27: {  	s1 =	sld [smem:$0x3F92]  }
0x28: {  	s2 =	sld [smem:$0x3F93]  }
0x29: {  	s4 =	sld [smem:$0x3F95]  }
0x2a: {  	p0 =	seq.s32 s5, $0x0;
	s5 =	sld [smem:$0x3F96]  }
0x2b: {  	s6 =	sld [smem:$0x3F97]  }
0x2c: {  	s7 =	sld [smem:$0x3F98]  }
0x2d: {  	s3 =	simm.s32 $0x108;
	s8 =	sld [smem:$0x3F99]  }
0x2e: {  	s3 =	simm.s32 @!p0 $0x1082;
	s9 =	sld [smem:$0x3F9A]  }
0x2f: {  	lr =	sadd.s32 s0, s3;
	s0 =	sld [smem:$0x3F91]  }
0x30: {  	s3 =	sld [smem:$0x3F94]  }
0x31: {  	[smem:$0x3F9D] =	sst s10  }
0x32: {  	s10 =	sld [smem:$0x3F9B];
	_ =	sdelay $0x3  }
0x33: {  	p0 =	seq.s32 s10, $0x1;
	s10 =	sld [smem:$0x3F9D];
	_ =	sdelay $0x3  }
0x34: {  	[smem:$0x3F9D] =	sst s10  }
0x35: {  	s10 =	sld [smem:$0x3F9C];
	_ =	sdelay $0x3  }
0x36: {  	p1 =	seq.s32 s10, $0x1;
	s10 =	sld [smem:$0x3F9D];
	_ =	sdelay $0x3  }
0x37: {  	[smem:$0x3F9D] =	sst s10  }
0x38: {  	s10 =	sld [smem:$0x3F9E]  }
0x39: {  	_ = 	snop;
	(pc) =	sbr.ind lr, $3  }
0x3a: {  	_ = 	snop  }
0x3b: {  	_ = 	snop  }
0x3c: {  	p2 =	seq.s32 s10, $0x1;
	s10 =	sld [smem:$0x3F9D]  }
0x3d: {  	_ =	shalt  }
0x3e: {  	_ =	shalt  }
0x3f: {  	_ =	shalt  }
0x40: {  	_ =	shalt  }
0x41: {  	_ =	shalt  }
0x42: {  	_ =	shalt  }
0x43: {  	_ =	shalt  }
0x44: {  	_ =	shalt  }
0x45: {  	_ =	shalt  }
0x46: {  	_ =	shalt  }
0x47: {  	_ =	shalt  }
0x48: {  	_ =	shalt  }
0x49: {  	_ =	shalt  }
0x4a: {  	_ =	shalt  }
0x4b: {  	_ =	shalt  }
0x4c: {  	_ =	shalt  }
0x4d: {  	_ =	shalt  }
0x4e: {  	_ =	shalt  }
0x4f: {  	_ =	shalt  }
0x50: {  	_ =	shalt  }
0x51: {  	_ =	shalt  }
0x52: {  	_ =	shalt  }
0x53: {  	_ =	shalt  }
0x54: {  	_ =	shalt  }
0x55: {  	_ =	shalt  }
0x56: {  	_ =	shalt  }
0x57: {  	_ =	shalt  }
0x58: {  	_ =	shalt  }
0x59: {  	_ =	shalt  }
0x5a: {  	_ =	shalt  }
0x5b: {  	_ =	shalt  }
0x5c: {  	_ =	shalt  }
0x5d: {  	_ =	shalt  }
0x5e: {  	_ =	shalt  }
0x5f: {  	_ =	shalt  }
0x60: {  	_ =	shalt  }
0x61: {  	_ =	shalt  }
0x62: {  	_ =	shalt  }
0x63: {  	_ =	shalt  }
0x64: {  	_ =	shalt  }
0x65: {  	_ =	shalt  }
0x66: {  	_ =	shalt  }
0x67: {  	_ =	shalt  }
0x68: {  	_ =	shalt  }
0x69: {  	_ =	shalt  }
0x6a: {  	_ =	shalt  }
0x6b: {  	_ =	shalt  }
0x6c: {  	_ =	shalt  }
0x6d: {  	_ =	shalt  }
0x6e: {  	_ =	shalt  }
0x6f: {  	_ =	shalt  }
0x70: {  	_ =	shalt  }
0x71: {  	_ =	shalt  }
0x72: {  	_ =	shalt  }
0x73: {  	_ =	shalt  }
0x74: {  	_ =	shalt  }
0x75: {  	_ =	shalt  }
0x76: {  	_ =	shalt  }
0x77: {  	_ =	shalt  }
0x78: {  	_ =	shalt  }
0x79: {  	_ =	shalt  }
0x7a: {  	_ =	shalt  }
0x7b: {  	_ =	shalt  }
0x7c: {  	_ =	shalt  }
0x7d: {  	_ =	shalt  }
0x7e: {  	_ =	shalt  }
0x7f: {  	_ =	shalt  }
0x80: {  	_ =	shalt  }
0x81: {  	_ =	shalt  }
0x82: {  	_ =	shalt  }
0x83: {  	_ =	shalt  }
0x84: {  	_ =	shalt  }
0x85: {  	_ =	shalt  }
0x86: {  	_ =	shalt  }
0x87: {  	_ =	shalt  }
.Lfunc_end0:
.L_simem_size_0:
called_computation.1_lowered:
.L_overlay_start_0:
0x88: {  	s2 =	sld [smem:$0x3FD9]  }
0x89: {  	s3 =	sld [smem:$0x3FFE];
	_ =	sdelay $0x1  }
0x8a: {  	s1 =	srdreg.scid  }
0x8b: {  	s0 =	sand.u32 $0x1, s1  }
0x8c: {  	s14 =	sshll.u32 s0, $0xA;
	s2 =	sadd.s32 s3, s2  }
0x8d: {  	s2 =	sadd.s32 s2, s14  }
0x8e: {  	[smem:$0x3FA9] =	sst s2  }
0x8f: {  	_ = 	snop  }
0x90: {  	s2 =	sld [smem:$0x3FD0];
	_ =	sdelay $0x2  }
0x91: {  	s15 =	simm.s32 $0xA;
	s4 =	simm.s32 $0x10  }
0x92: {  	[smem:s4], [sflag:s15] =	dma.local [hbm:s2], $0x1  }
0x93: {  	_ =	swait.eq [sflag:s15], $0x1  }
0x94: {  	[sflag:s15] =	ssyncset.done $0x0  }
0x95: {  	[sflag:s15] =	ssyncadd.s32 $0xFFFFFFFF  }
0x96: {  	s16 =	sld [smem:$0x10];
	(tm) =	ssettm $0x1  }
0x97: {  	s17 =	sld [smem:$0x3FFB];
	_ =	sdelay $0x3  }
0x98: {  	_ =	strace s17  }
0x99: {  	s3 =	sld [smem:$0x3FFC];
	_ =	sdelay $0x3  }
0x9a: {  	_ =	strace s3  }
0x9b: {  	s3 =	sld [smem:$0x3FFD];
	_ =	sdelay $0x3  }
0x9c: {  	_ =	strace s3  }
0x9d: {  	_ =	strace $0x8FFFFFFF  }
0x9e: {  	s18 =	sld [smem:$0x3FDB];
	_ =	sdelay $0x1  }
0x9f: {  	s19 =	simm.s32 $_scs_section_size  }
0xa0: {  	s5 =	simm.s32 $_size__tile_overlayer_lowered;
	s6 =	simm.s32 $_tile_overlayer_lowered  }
0xa1: {  	s22 =	simm.s32 $0x1BFF;
	s21 =	sshll.u32 s6, $0x1;
	s3 =	sadd.s32 s19, s18  }
0xa2: {  	s7 =	simm.s32 $0x0;
	s20 =	sshll.u32 s5, $0x1;
	s5 =	sadd.s32 s21, s3  }
0xa3: {  	[timem:s7], [sflag:s22] =	dma.local [hbm:s5], s20  }
0xa4: {  	_ =	swait.ge [sflag:s22], s20  }
0xa5: {  	s4 =	ssub.s32 $0x0, s20;
	[sflag:s22] =	ssyncset.done $0x0  }
0xa6: {  	[sflag:s22] =	ssyncadd.s32 s4;
	_ =	sdelay $0x1  }
0xa7: {  	s23 =	simm.s32 $0x1B8B  }
0xa8: {  	_ =	swait.ge [sflag:s23], $0x1  }
0xa9: {  	[sflag:s23] =	ssyncset.done $0x0  }
0xaa: {  	s25 =	simm.s32 $0x1B8E;
	s24 =	sld [smem:$0x3FFE];
	[sflag:s23] =	ssyncadd.s32 $0xFFFFFFFF  }
0xab: {  	s26 =	simm.s32 $execute0_lowered;
	[smem:$0x3FD2] =	sst s25  }
0xac: {  	s5 =	sshll.u32 s26, $0x1;
	_ =	strace $0x80000046;
	[dreg:$0x1] =	wrdreg $0xFFFFFFFF  }
0xad: {  	s28 =	simm.s32 $_size_execute0_lowered;
	s3 =	sadd.s32 s3, s5;
	[dreg:$0x0] =	wrdreg $0x0  }
0xae: {  	s5 =	sshll.u32 s28, $0x1;
	[dreg:$0x2] =	wrdreg s3  }
0xaf: {  	[dreg:$0x3] =	wrdreg s5  }
0xb0: {  	[dreg:$0x4] =	wrdreg $0xC0  }
0xb1: {  	_ =	task [dreg:s7], $0x5FFFF  }
0xb2: {  	[dreg:$0x1] =	wrdreg $0xFFFFFFFF  }
0xb3: {  	[dreg:$0x0] =	wrdreg $0x60  }
0xb4: {  	[dreg:$0x2] =	wrdreg s24  }
0xb5: {  	[dreg:$0x3] =	wrdreg s16  }
0xb6: {  	[dreg:$0x4] =	wrdreg $0x9  }
0xb7: {  	_ =	task.clear_ibuf [dreg:s7], $0x5FFFF;
	_ =	strace $0x90000046  }
0xb8: {  	s29 =	simm.s32 $0x9;
	_ =	strace $0x80000048  }
0xb9: {  	_ =	swait.ge [sflag:s29], $0x1  }
0xba: {  	[sflag:s29] =	ssyncadd.s32 $0xFFFFFFFF  }
0xbb: {  	_ =	strace $0x90000048  }
0xbc: {  	_ =	sfence  }
0xbd: {  	s30 =	sld [smem:$0x0];
	_ =	sdelay $0x2  }
0xbe: {  	s31 =	sshll.u32 s1, $0xD;
	s1 =	sshrl.u32 s1, $0x2  }
0xbf: {  	s3 =	sand.u32 $0x4000, s31;
	s1 =	sadd.s32 s1, s30  }
0xc0: {  	s0 =	sor.u32 s3, s0;
	s1 =	sshll.u32 s1, $0x11  }
0xc1: {  	s0 =	sor.u32 s1, s0  }
0xc2: {  	s0 =	sadd.s32 $0x8F2B, s0  }
0xc3: {  	[sflag:s0] =	ssyncadd.remote.s32 $0x1  }
0xc4: {  	_ =	sfence.sel $0xFFFF  }
0xc5: {  	[dreg:$0x0] =	wrdreg $0xFFFFFFFF;
	(pc) =	sbr.abs _section_cstart, $3  }
0xc6: {  	[dreg:$0x1] =	wrdreg $0xFFFFFFFF  }
0xc7: {  	_ =	task.clear_ibuf [dreg:s7], $0x2FFFF;
	_ =	strace $0x9FFFFFFF  }
0xc8: {  	(tm) =	ssettm $0x7FFFFFFF  }
0xc9: {  	_ =	shalt  }
tec
execute0_lowered:
.L_overlay_start_1:
0x0: {  	(tag) =	ssettag $0x1  }
0x1: {  	s1 =	srdreg.scid;
	s0 =	stileid.u32  }
0x2: {  	s11 =	rddreg [dreg:$0x0];
	s4 =	simm.s32 $0x0;
	s14 =	simm.s32 $0x1900  }
0x3: {  	s15 =	simm.s32 $0x32000;
	s16 =	simm.s32 $0x1;
	s17 =	simm.s32 $0x80  }
0x4: {  	s18 =	simm.s32 $0xCF00;
	s19 =	simm.s32 $0xEF00;
	s20 =	simm.s32 $0x10F00  }
0x5: {  	s21 =	simm.s32 $0x12F00;
	s22 =	simm.s32 $0x14F00;
	s23 =	simm.s32 $0x16F00  }
0x6: {  	s24 =	simm.s32 $0xAF00;
	s25 =	simm.s32 $0x2;
	s26 =	simm.s32 $0x0  }
0x7: {  	s1 =	sand.u32 $0x1, s1;
	s2 =	sshll.u32 s0, $0x1;
	[smem:$0x7FF] =	sst s4  }
0x8: {  	s6 =	sadd.s32 $0x56000, s11;
	s7 =	sadd.s32 $0x5000, s11;
	s3 =	sor.u32 s1, s2  }
0x9: {  	s8 =	sadd.s32 $0x5B200, s11;
	s1 =	ssub.s32 $0x2, s1;
	s3 =	smul.u32 $0x1900, s3  }
0xa: {  	s9 =	sadd.s32 $0x59200, s11;
	s10 =	sadd.s32 $0x27A00, s11;
	s13 =	sshrl.u32 s1, $0x1  }
0xb: {  	s2 =	rddreg [dreg:$0x1];
	s1 =	ssub.s32 s1, s13;
	s5 =	sshrl.u32 s3, $0x3  }
0xc: {  	_ =	strace $0x80000047;
	s13 =	smax.u32 s1, $0x1;
	s12 =	sadd.s32 s5, s11  }
0xd: {  	s5 =	sadd.s32 $0x17800, s11;
	s11 =	sadd.s32 $0x5D200, s11;
	s12 =	sadd.s32 $0x2A400, s12  }
.LBB2_1:
0xe: {  	[tilespmem:s4], [sflag:$0x1] =	stream.strided.gather [hbm4b:s12+s14], $0xAF00, s15, s14, $0x38;
	[tilespmem:$0x18F00] =	vst v63  }
0xf: {  	_ =	swait.ge [sflag:s16], $0xAF00  }
0x10: {  	[sflag:s16] =	ssyncset.done $0x0  }
0x11: {  	s28 =	simm.s32 $0x0;
	[sflag:s16] =	ssyncadd.s32 $0xFFFF5100  }
.LBB2_2:
0x12: {  	p0 =	seq.s32 s28, $0x0  }
0x13: {  	s1 =	simm.s32 @!p0 $0x2  }
0x14: {  	_ =	swait.ge @!p0 [sflag:s1], $0x2000  }
0x15: {  	[sflag:s1] =	ssyncset.done @!p0 $0x0  }
0x16: {  	s30 =	sshll.u32 s28, $0x7;
	s29 =	simm.s32 $0xAF00;
	[sflag:s1] =	ssyncadd.s32 @!p0 $0xFFFFE000  }
0x17: {  	[tilespmem:s29], [sflag:$0x1] =	stream.indirect.gather [hbm4b:s5+s17], $0x40, s30, s17, $0xb8;
	[tilespmem:$0x18F00] =	vst v63  }
0x18: {  	s1 =	sadd.s32 $0x1900, s30  }
0x19: {  	[tilespmem:s18], [sflag:$0x1] =	stream.indirect.gather [hbm4b:s6+s17], $0x40, s1, s17, $0xb8;
	[tilespmem:$0x18F00] =	vst v63  }
0x1a: {  	s1 =	sadd.s32 $0x3200, s30  }
0x1b: {  	[tilespmem:s19], [sflag:$0x1] =	stream.indirect.gather [hbm4b:s7+s17], $0x40, s1, s17, $0xb8;
	[tilespmem:$0x18F00] =	vst v63  }
0x1c: {  	s1 =	sadd.s32 $0x4B00, s30  }
0x1d: {  	[tilespmem:s20], [sflag:$0x1] =	stream.indirect.gather [hbm4b:s8+s17], $0x40, s1, s17, $0xb8;
	[tilespmem:$0x18F00] =	vst v63  }
0x1e: {  	s1 =	sadd.s32 $0x6400, s30  }
0x1f: {  	[tilespmem:s21], [sflag:$0x1] =	stream.indirect.gather [hbm4b:s9+s17], $0x40, s1, s17, $0xb8;
	[tilespmem:$0x18F00] =	vst v63  }
0x20: {  	s1 =	sadd.s32 $0x7D00, s30  }
0x21: {  	[tilespmem:s22], [sflag:$0x1] =	stream.indirect.gather [hbm4b:s10+s17], $0x40, s1, s17, $0xb8;
	[tilespmem:$0x18F00] =	vst v63  }
0x22: {  	s1 =	sadd.s32 $0x9600, s30  }
0x23: {  	[tilespmem:s23], [sflag:$0x1] =	stream.indirect.gather [hbm4b:s11+s17], $0x40, s1, s17, $0xb8;
	[tilespmem:$0x18F00] =	vst v63  }
0x24: {  	_ =	swait.ge [sflag:s16], $0x2000  }
0x25: {  	[sflag:s16] =	ssyncset.done $0x0  }
0x26: {  	[sflag:s16] =	ssyncadd.s32 $0xFFFFE000  }
0x27: {  	_ =	swait.ge [sflag:s16], $0x2000  }
0x28: {  	[sflag:s16] =	ssyncset.done $0x0  }
0x29: {  	[sflag:s16] =	ssyncadd.s32 $0xFFFFE000  }
0x2a: {  	_ =	swait.ge [sflag:s16], $0x2000  }
0x2b: {  	[sflag:s16] =	ssyncset.done $0x0  }
0x2c: {  	[sflag:s16] =	ssyncadd.s32 $0xFFFFE000  }
0x2d: {  	_ =	swait.ge [sflag:s16], $0x2000  }
0x2e: {  	[sflag:s16] =	ssyncset.done $0x0  }
0x2f: {  	[sflag:s16] =	ssyncadd.s32 $0xFFFFE000  }
0x30: {  	_ =	swait.ge [sflag:s16], $0x2000  }
0x31: {  	[sflag:s16] =	ssyncset.done $0x0  }
0x32: {  	[sflag:s16] =	ssyncadd.s32 $0xFFFFE000  }
0x33: {  	_ =	swait.ge [sflag:s16], $0x2000  }
0x34: {  	[sflag:s16] =	ssyncset.done $0x0  }
0x35: {  	[sflag:s16] =	ssyncadd.s32 $0xFFFFE000  }
0x36: {  	_ =	swait.ge [sflag:s16], $0x2000  }
0x37: {  	[sflag:s16] =	ssyncset.done $0x0  }
0x38: {  	[sflag:s16] =	ssyncadd.s32 $0xFFFFE000  }
0x39: {  	v19 =	vld [tilespmem:s29+$0xC000]  }
0x3a: {  	v20 =	vld [tilespmem:s29+$0xC010]  }
0x3b: {  	v21 =	vld [tilespmem:s29+$0xC020]  }
0x3c: {  	v22 =	vld [tilespmem:s29+$0xC030]  }
0x3d: {  	v23 =	vld [tilespmem:s29+$0xC040]  }
0x3e: {  	v18 =	vld [tilespmem:s29+$0xC050]  }
0x3f: {  	v17 =	vld [tilespmem:s29+$0xC060]  }
0x40: {  	v16 =	vld [tilespmem:s29+$0xC070]  }
0x41: {  	v8 =	vld [tilespmem:s29+$0xC080]  }
0x42: {  	v6 =	vld [tilespmem:s29+$0xC090]  }
0x43: {  	v0 =	vld [tilespmem:s29+$0xC0A0]  }
0x44: {  	v2 =	vld [tilespmem:s29+$0xC0B0]  }
0x45: {  	v24 =	vld [tilespmem:s29+$0xA000]  }
0x46: {  	v25 =	vld [tilespmem:s29+$0xA010]  }
0x47: {  	v26 =	vld [tilespmem:s29+$0xA020]  }
0x48: {  	v27 =	vld [tilespmem:s29+$0xA030]  }
0x49: {  	v28 =	vld [tilespmem:s29+$0xA040]  }
0x4a: {  	v29 =	vld [tilespmem:s29+$0xA050]  }
0x4b: {  	v30 =	vld [tilespmem:s29+$0xA060]  }
0x4c: {  	v31 =	vld [tilespmem:s29+$0xA070]  }
0x4d: {  	v13 =	vld [tilespmem:s29+$0xA080]  }
0x4e: {  	v12 =	vld [tilespmem:s29+$0xA090]  }
0x4f: {  	v11 =	vld [tilespmem:s29+$0xA0A0]  }
0x50: {  	v10 =	vld [tilespmem:s29+$0xA0B0]  }
0x51: {  	v1 =	vld [tilespmem:s29+$0xA0C0]  }
0x52: {  	v32 =	vld [tilespmem:s29+$0x8000]  }
0x53: {  	v33 =	vld [tilespmem:s29+$0x8010]  }
0x54: {  	v34 =	vld [tilespmem:s29+$0x8020]  }
0x55: {  	v35 =	vld [tilespmem:s29+$0x8030]  }
0x56: {  	v36 =	vld [tilespmem:s29+$0x8040]  }
0x57: {  	v37 =	vld [tilespmem:s29+$0x8050]  }
0x58: {  	v38 =	vld [tilespmem:s29+$0x8060]  }
0x59: {  	v39 =	vld [tilespmem:s29+$0x8070]  }
0x5a: {  	v40 =	vld [tilespmem:s29+$0x8080]  }
0x5b: {  	v41 =	vld [tilespmem:s29+$0x8090]  }
0x5c: {  	v42 =	vld [tilespmem:s29+$0x80A0]  }
0x5d: {  	v43 =	vld [tilespmem:s29+$0x80B0]  }
0x5e: {  	v9 =	vld [tilespmem:s29+$0x80C0]  }
0x5f: {  	v7 =	vld [tilespmem:s29+$0x80D0]  }
0x60: {  	v44 =	vld [tilespmem:s29+$0x6000]  }
0x61: {  	v45 =	vld [tilespmem:s29+$0x6010]  }
0x62: {  	v46 =	vld [tilespmem:s29+$0x6020]  }
0x63: {  	v47 =	vld [tilespmem:s29+$0x6030]  }
0x64: {  	v48 =	vld [tilespmem:s29+$0x6040]  }
0x65: {  	v49 =	vld [tilespmem:s29+$0x6050]  }
0x66: {  	v50 =	vld [tilespmem:s29+$0x6060]  }
0x67: {  	v51 =	vld [tilespmem:s29+$0x6070]  }
0x68: {  	v52 =	vld [tilespmem:s29+$0x6080]  }
0x69: {  	v53 =	vld [tilespmem:s29+$0x6090]  }
0x6a: {  	v54 =	vld [tilespmem:s29+$0x60A0]  }
0x6b: {  	v55 =	vld [tilespmem:s29+$0x60B0]  }
0x6c: {  	v15 =	vld [tilespmem:s29+$0x60C0]  }
0x6d: {  	v14 =	vld [tilespmem:s29+$0x60D0]  }
0x6e: {  	v56 =	vld [tilespmem:s29+$0x4000]  }
0x6f: {  	v57 =	vld [tilespmem:s29+$0x4010]  }
0x70: {  	v58 =	vld [tilespmem:s29+$0x2000]  }
0x71: {  	v59 =	vld [tilespmem:s29+$0x2010]  }
0x72: {  	v60 =	vld [tilespmem:s29+$0x2020]  }
0x73: {  	v61 =	vld [tilespmem:s29+$0x2030]  }
0x74: {  	v62 =	vld [tilespmem:s29+$0x0]  }
0x75: {  	v63 =	vld [tilespmem:s29+$0x10]  }
0x76: {  	v3 =	vld [tilespmem:s29+$0x20]  }
0x77: {  	v4 =	vld [tilespmem:s29+$0x30]  }
0x78: {  	v5 =	vld [tilespmem:s29+$0x4020]  }
0x79: {  	[tilespmem:$0x1FFF0] =	vst v0;
	v0 =	vld [tilespmem:s29+$0xC0C0]  }
0x7a: {  	v58 =	vadd.f32 v58, v62;
	v62 =	vld [tilespmem:s29+$0x4030]  }
0x7b: {  	v59 =	vadd.f32 v59, v63;
	v63 =	vld [tilespmem:s29+$0x4040]  }
0x7c: {  	v3 =	vadd.f32 v60, v3;
	v4 =	vadd.f32 v61, v4;
	v60 =	vld [tilespmem:s29+$0x60]  }
0x7d: {  	v61 =	vld [tilespmem:s29+$0x70];
	v56 =	vadd.f32 v56, v58;
	v57 =	vadd.f32 v57, v59  }
0x7e: {  	v58 =	vld [tilespmem:s29+$0x4050];
	v3 =	vadd.f32 v5, v3  }
0x7f: {  	v59 =	vld [tilespmem:s29+$0x2040];
	v44 =	vadd.f32 v44, v56;
	v45 =	vadd.f32 v45, v57  }
0x80: {  	v5 =	vld [tilespmem:s29+$0x2050];
	v3 =	vadd.f32 v46, v3;
	v4 =	vadd.f32 v62, v4  }
0x81: {  	v32 =	vadd.f32 v32, v44;
	v44 =	vld [tilespmem:s29+$0x2070];
	v33 =	vadd.f32 v33, v45  }
0x82: {  	v45 =	vld [tilespmem:s29+$0x40];
	v3 =	vadd.f32 v34, v3;
	v4 =	vadd.f32 v47, v4  }
0x83: {  	v57 =	vld [tilespmem:s29+$0x50];
	v24 =	vadd.f32 v24, v32  }
0x84: {  	v56 =	vld [tilespmem:s29+$0x2060];
	v3 =	vadd.f32 v26, v3;
	v4 =	vadd.f32 v35, v4  }
0x85: {  	[tilespmem:$0x1FFD0] =	vst v0;
	v0 =	vld [tilespmem:s29+$0xC0D0];
	v25 =	vadd.f32 v25, v33;
	v19 =	vadd.f32 v19, v24  }
0x86: {  	v62 =	vld [tilespmem:s29+$0x4060];
	v3 =	vadd.f32 v21, v3;
	v4 =	vadd.f32 v27, v4  }
0x87: {  	v47 =	vld [tilespmem:s29+$0x4070];
	v46 =	vadd.f32 v59, v45;
	v24 =	vadd.f32 v44, v61  }
0x88: {  	v59 =	vld [tilespmem:s29+$0x4090];
	v22 =	vadd.f32 v22, v4;
	v4 =	vadd.f32 v5, v57  }
0x89: {  	v61 =	vld [tilespmem:s29+$0x2090];
	v21 =	vadd.f32 v63, v46;
	v57 =	vadd.f32 v56, v60  }
0x8a: {  	v20 =	vadd.f32 v20, v25;
	v44 =	vld [tilespmem:s29+$0xB0];
	v4 =	vadd.f32 v58, v4  }
0x8b: {  	v5 =	vld [tilespmem:s29+$0x4080];
	v21 =	vadd.f32 v48, v21;
	v25 =	vadd.f32 v62, v57  }
0x8c: {  	v60 =	vld [tilespmem:s29+$0x2080];
	v24 =	vadd.f32 v47, v24;
	v4 =	vadd.f32 v49, v4  }
0x8d: {  	v21 =	vadd.f32 v36, v21;
	v25 =	vadd.f32 v50, v25;
	v36 =	vld [tilespmem:s29+$0x80]  }
0x8e: {  	v62 =	vld [tilespmem:s29+$0x20A0];
	v24 =	vadd.f32 v51, v24;
	v4 =	vadd.f32 v37, v4  }
0x8f: {  	v21 =	vadd.f32 v28, v21;
	v25 =	vadd.f32 v38, v25;
	v38 =	vld [tilespmem:s29+$0xA0]  }
0x90: {  	v24 =	vadd.f32 v39, v24;
	v37 =	vld [tilespmem:s29+$0x90]  }
0x91: {  	v45 =	vld [tilespmem:s29+$0x40A0];
	v4 =	vadd.f32 v29, v4;
	v21 =	vadd.f32 v23, v21  }
0x92: {  	v63 =	vld [tilespmem:s29+$0x20B0];
	v39 =	vadd.f32 v30, v25;
	v46 =	vadd.f32 v60, v36  }
0x93: {  	v47 =	vld [tilespmem:s29+$0x40B0];
	v18 =	vadd.f32 v18, v4;
	v4 =	vadd.f32 v31, v24  }
0x94: {  	v56 =	vld [tilespmem:s29+$0x20F0];
	v5 =	vadd.f32 v5, v46;
	v49 =	vadd.f32 v62, v38  }
0x95: {  	v48 =	vld [tilespmem:s29+$0x40C0];
	v16 =	vadd.f32 v16, v4;
	v4 =	vadd.f32 v61, v37  }
0x96: {  	v51 =	vld [tilespmem:s29+$0x20C0];
	v5 =	vadd.f32 v52, v5;
	v23 =	vadd.f32 v45, v49  }
0x97: {  	v57 =	vld [tilespmem:s29+$0xC0];
	v25 =	vadd.f32 v63, v44;
	v4 =	vadd.f32 v59, v4  }
0x98: {  	v58 =	vld [tilespmem:s29+$0xD0];
	v5 =	vadd.f32 v40, v5;
	v23 =	vadd.f32 v54, v23  }
0x99: {  	v25 =	vadd.f32 v47, v25;
	v52 =	vld [tilespmem:s29+$0x20D0];
	v4 =	vadd.f32 v53, v4  }
0x9a: {  	v50 =	vld [tilespmem:s29+$0x40D0];
	v5 =	vadd.f32 v13, v5;
	v13 =	vadd.f32 v42, v23  }
0x9b: {  	v25 =	vadd.f32 v55, v25;
	v59 =	vld [tilespmem:s29+$0xE0];
	v4 =	vadd.f32 v41, v4  }
0x9c: {  	v60 =	vadd.f32 v8, v5;
	v5 =	vadd.f32 v11, v13;
	v11 =	vld [tilespmem:$0x1FFF0]  }
0x9d: {  	v8 =	vld [tilespmem:s29+$0xF0];
	v4 =	vadd.f32 v12, v4;
	v12 =	vadd.f32 v43, v25  }
0x9e: {  	v53 =	vld [tilespmem:s29+$0x20E0];
	v13 =	vadd.f32 v52, v58  }
0x9f: {  	v6 =	vadd.f32 v6, v4;
	v4 =	vadd.f32 v10, v12;
	v12 =	vld [tilespmem:s29+$0x40F0]  }
0xa0: {  	[tilespmem:$0x1FFE0] =	vst v0;
	v17 =	vadd.f32 v17, v39;
	v13 =	vadd.f32 v50, v13;
	v10 =	vld [tilespmem:s29+$0x40E0]  }
0xa1: {  	v0 =	vld [tilespmem:s29+$0xA0D0];
	[tilespmem:s29+$0x0] =	vst v19;
	v5 =	vadd.f32 v11, v5;
	v11 =	vadd.f32 v51, v57  }
0xa2: {  	[tilespmem:s29+$0x10] =	vst v20;
	v61 =	vld [tilespmem:s29+$0x60E0];
	v13 =	vadd.f32 v14, v13;
	v8 =	vadd.f32 v56, v8  }
0xa3: {  	[tilespmem:s29+$0x20] =	vst v3;
	v62 =	vld [tilespmem:s29+$0x60F0];
	v3 =	vadd.f32 v48, v11;
	v11 =	vadd.f32 v53, v59  }
0xa4: {  	[tilespmem:s29+$0x30] =	vst v22;
	v63 =	vld [tilespmem:s29+$0x80E0];
	v12 =	vadd.f32 v12, v8;
	v8 =	vadd.f32 v7, v13  }
0xa5: {  	[tilespmem:s29+$0x40] =	vst v21;
	v7 =	vld [tilespmem:s29+$0xC0E0];
	v3 =	vadd.f32 v15, v3;
	v15 =	vadd.f32 v10, v11  }
0xa6: {  	[tilespmem:s29+$0x50] =	vst v18;
	v10 =	vld [tilespmem:s29+$0x80F0]  }
0xa7: {  	[tilespmem:s29+$0x60] =	vst v17;
	v11 =	vld [tilespmem:s29+$0xA0E0];
	v3 =	vadd.f32 v9, v3;
	v14 =	vadd.f32 v61, v15  }
0xa8: {  	[tilespmem:s29+$0x70] =	vst v16;
	v4 =	vadd.f32 v2, v4;
	v12 =	vadd.f32 v62, v12;
	v9 =	vld [tilespmem:s29+$0xA0F0]  }
0xa9: {  	s31 =	simm.s32 $0x0;
	s1 =	simm.s32 $0xB000;
	[tilespmem:s29+$0x80] =	vst v60;
	v13 =	vadd.f32 v1, v3;
	v14 =	vadd.f32 v63, v14;
	v3 =	vld [tilespmem:s29+$0xC0F0]  }
.LBB2_3:
0xaa: {  	v20 =	vld [tilespmem:s1+$0xC000]  }
0xab: {  	v21 =	vld [tilespmem:s1+$0xC010]  }
0xac: {  	v2 =	vadd.f32 v0, v8;
	v0 =	vld [tilespmem:$0x1FFD0]  }
0xad: {  	v23 =	vld [tilespmem:s1+$0xC020]  }
0xae: {  	v24 =	vld [tilespmem:s1+$0xC030]  }
0xaf: {  	v15 =	vld [tilespmem:s1+$0xC040]  }
0xb0: {  	v16 =	vld [tilespmem:s1+$0xC050]  }
0xb1: {  	[tilespmem:s29+$0xB0] =	vst v4;
	v4 =	vld [tilespmem:s1+$0xC0B0]  }
0xb2: {  	v43 =	vld [tilespmem:s1+$0xA000]  }
0xb3: {  	v42 =	vld [tilespmem:s1+$0xA010]  }
0xb4: {  	v40 =	vld [tilespmem:s1+$0xA020]  }
0xb5: {  	v38 =	vld [tilespmem:s1+$0xA030]  }
0xb6: {  	v31 =	vld [tilespmem:s1+$0xA040]  }
0xb7: {  	v30 =	vld [tilespmem:s1+$0xA050]  }
0xb8: {  	v28 =	vld [tilespmem:s1+$0xA060]  }
0xb9: {  	v26 =	vld [tilespmem:s1+$0xA070]  }
0xba: {  	v17 =	vld [tilespmem:s1+$0xA080]  }
0xbb: {  	v44 =	vld [tilespmem:s1+$0x8000]  }
0xbc: {  	v45 =	vld [tilespmem:s1+$0x8010]  }
0xbd: {  	v46 =	vld [tilespmem:s1+$0x8020]  }
0xbe: {  	v47 =	vld [tilespmem:s1+$0x8030]  }
0xbf: {  	v41 =	vld [tilespmem:s1+$0x8040]  }
0xc0: {  	v39 =	vld [tilespmem:s1+$0x8050]  }
0xc1: {  	v36 =	vld [tilespmem:s1+$0x8060]  }
0xc2: {  	v34 =	vld [tilespmem:s1+$0x8070]  }
0xc3: {  	v29 =	vld [tilespmem:s1+$0x8080]  }
0xc4: {  	v27 =	vld [tilespmem:s1+$0x8090]  }
0xc5: {  	v25 =	vld [tilespmem:s1+$0x80A0]  }
0xc6: {  	v22 =	vld [tilespmem:s1+$0x80B0]  }
0xc7: {  	v8 =	vld [tilespmem:s1+$0x80D0]  }
0xc8: {  	v48 =	vld [tilespmem:s1+$0x6000]  }
0xc9: {  	v49 =	vld [tilespmem:s1+$0x6010]  }
0xca: {  	v50 =	vld [tilespmem:s1+$0x6020]  }
0xcb: {  	v51 =	vld [tilespmem:s1+$0x6030]  }
0xcc: {  	v52 =	vld [tilespmem:s1+$0x6040]  }
0xcd: {  	v53 =	vld [tilespmem:s1+$0x6050]  }
0xce: {  	v54 =	vld [tilespmem:s1+$0x6060]  }
0xcf: {  	v55 =	vld [tilespmem:s1+$0x6070]  }
0xd0: {  	v37 =	vld [tilespmem:s1+$0x6080]  }
0xd1: {  	v35 =	vld [tilespmem:s1+$0x6090]  }
0xd2: {  	v33 =	vld [tilespmem:s1+$0x60A0]  }
0xd3: {  	v32 =	vld [tilespmem:s1+$0x60B0]  }
0xd4: {  	v19 =	vld [tilespmem:s1+$0x60C0]  }
0xd5: {  	v1 =	vadd.f32 v0, v13;
	v0 =	vld [tilespmem:$0x1FFE0]  }
0xd6: {  	v18 =	vld [tilespmem:s1+$0x60D0]  }
0xd7: {  	v56 =	vld [tilespmem:s1+$0x4000]  }
0xd8: {  	[tilespmem:s29+$0x90] =	vst v6;
	v57 =	vld [tilespmem:s1+$0x4010];
	v6 =	vadd.f32 v10, v12  }
0xd9: {  	v58 =	vld [tilespmem:s1+$0x2000]  }
0xda: {  	v59 =	vld [tilespmem:s1+$0x2010];
	v0 =	vadd.f32 v0, v2;
	v2 =	vadd.f32 v9, v6  }
0xdb: {  	v60 =	vld [tilespmem:s1+$0x2020]  }
0xdc: {  	v61 =	vld [tilespmem:s1+$0x2030];
	[tilespmem:s29+$0xD0] =	vst v0;
	v0 =	vadd.f32 v3, v2  }
0xdd: {  	v62 =	vld [tilespmem:s1+$0x0]  }
0xde: {  	[tilespmem:s29+$0xF0] =	vst v0;
	v0 =	vld [tilespmem:s1+$0xC0C0]  }
0xdf: {  	v63 =	vld [tilespmem:s1+$0x10]  }
0xe0: {  	v12 =	vld [tilespmem:s1+$0xC060]  }
0xe1: {  	[tilespmem:s29+$0xA0] =	vst v5;
	v5 =	vadd.f32 v11, v14;
	v14 =	vld [tilespmem:s1+$0xA090]  }
0xe2: {  	v11 =	vld [tilespmem:s1+$0xA0A0]  }
0xe3: {  	[tilespmem:$0x1FFD0] =	vst v0;
	v0 =	vld [tilespmem:s1+$0xC0D0]  }
0xe4: {  	v10 =	vld [tilespmem:s1+$0xA0B0]  }
0xe5: {  	v13 =	vld [tilespmem:s1+$0xC070]  }
0xe6: {  	v58 =	vadd.f32 v58, v62;
	v62 =	vld [tilespmem:s1+$0x4030]  }
0xe7: {  	v59 =	vadd.f32 v59, v63;
	v63 =	vld [tilespmem:s1+$0x4040]  }
0xe8: {  	[tilespmem:$0x1FFE0] =	vst v0;
	v0 =	vld [tilespmem:s1+$0xA0C0]  }
0xe9: {  	[tilespmem:s29+$0xC0] =	vst v1;
	v1 =	vadd.f32 v7, v5;
	v7 =	vld [tilespmem:s1+$0xC080]  }
0xea: {  	v5 =	vld [tilespmem:s1+$0xC0A0]  }
0xeb: {  	v56 =	vadd.f32 v56, v58;
	v58 =	vld [tilespmem:s1+$0x4050]  }
0xec: {  	[tilespmem:s29+$0xE0] =	vst v1;
	v1 =	vld [tilespmem:s1+$0x30]  }
0xed: {  	[tilespmem:$0x1FFC0] =	vst v0;
	v0 =	vld [tilespmem:s1+$0x20]  }
0xee: {  	v57 =	vadd.f32 v57, v59;
	v48 =	vadd.f32 v48, v56;
	v56 =	vld [tilespmem:s1+$0x2060]  }
0xef: {  	v2 =	vld [tilespmem:s1+$0x4020]  }
0xf0: {  	v49 =	vadd.f32 v49, v57;
	v57 =	vld [tilespmem:s1+$0x70]  }
0xf1: {  	v6 =	vld [tilespmem:s1+$0xC090]  }
0xf2: {  	v9 =	vld [tilespmem:s1+$0x80C0];
	v0 =	vadd.f32 v60, v0  }
0xf3: {  	v44 =	vadd.f32 v44, v48;
	v48 =	vld [tilespmem:s1+$0x2070];
	v1 =	vadd.f32 v61, v1  }
0xf4: {  	v61 =	vld [tilespmem:s1+$0x2040];
	v0 =	vadd.f32 v2, v0  }
0xf5: {  	v45 =	vadd.f32 v45, v49;
	v1 =	vadd.f32 v62, v1;
	v62 =	vld [tilespmem:s1+$0x40]  }
0xf6: {  	v43 =	vadd.f32 v43, v44;
	v2 =	vld [tilespmem:s1+$0x2050];
	v0 =	vadd.f32 v50, v0  }
0xf7: {  	v42 =	vadd.f32 v42, v45;
	v1 =	vadd.f32 v51, v1;
	v50 =	vld [tilespmem:s1+$0x50]  }
0xf8: {  	v20 =	vadd.f32 v20, v43;
	v51 =	vld [tilespmem:s1+$0x60];
	v0 =	vadd.f32 v46, v0  }
0xf9: {  	v49 =	vld [tilespmem:s1+$0x4090];
	v21 =	vadd.f32 v21, v42;
	v1 =	vadd.f32 v47, v1  }
0xfa: {  	v61 =	vadd.f32 v61, v62;
	v60 =	vld [tilespmem:s1+$0x4060];
	v0 =	vadd.f32 v40, v0  }
0xfb: {  	v62 =	vld [tilespmem:s1+$0x4070];
	v1 =	vadd.f32 v38, v1;
	v40 =	vadd.f32 v48, v57  }
0xfc: {  	v59 =	vld [tilespmem:s1+$0xA0];
	v2 =	vadd.f32 v2, v50;
	v0 =	vadd.f32 v23, v0  }
0xfd: {  	v57 =	vld [tilespmem:s1+$0x90];
	v23 =	vadd.f32 v63, v61;
	v63 =	vadd.f32 v56, v51  }
0xfe: {  	v1 =	vadd.f32 v24, v1;
	v51 =	vld [tilespmem:s1+$0x2090];
	v2 =	vadd.f32 v58, v2  }
0xff: {  	v50 =	vld [tilespmem:s1+$0x2080];
	v23 =	vadd.f32 v52, v23;
	v38 =	vadd.f32 v60, v63  }
0x100: {  	v40 =	vadd.f32 v62, v40;
	v52 =	vld [tilespmem:s1+$0x20A0];
	v2 =	vadd.f32 v53, v2  }
0x101: {  	v61 =	vld [tilespmem:s1+$0xB0];
	v23 =	vadd.f32 v41, v23;
	v38 =	vadd.f32 v54, v38  }
0x102: {  	v53 =	vld [tilespmem:s1+$0x20B0];
	v54 =	vadd.f32 v55, v40;
	v2 =	vadd.f32 v39, v2  }
0x103: {  	v55 =	vld [tilespmem:s1+$0x80];
	v45 =	vadd.f32 v51, v57;
	v23 =	vadd.f32 v31, v23  }
0x104: {  	v40 =	vld [tilespmem:s1+$0x40B0];
	v56 =	vadd.f32 v36, v38;
	v58 =	vadd.f32 v34, v54  }
0x105: {  	v24 =	vld [tilespmem:s1+$0x4080];
	v2 =	vadd.f32 v30, v2;
	v47 =	vadd.f32 v52, v59  }
0x106: {  	v63 =	vld [tilespmem:s1+$0x40A0];
	v15 =	vadd.f32 v15, v23;
	v60 =	vadd.f32 v28, v56  }
0x107: {  	v3 =	vld [tilespmem:s1+$0xA0D0];
	v62 =	vadd.f32 v26, v58;
	v28 =	vadd.f32 v53, v61  }
0x108: {  	v46 =	vld [tilespmem:s1+$0x40C0];
	v2 =	vadd.f32 v16, v2;
	v39 =	vadd.f32 v50, v55  }
0x109: {  	v48 =	vld [tilespmem:s1+$0x40D0];
	v16 =	vadd.f32 v49, v45;
	v28 =	vadd.f32 v40, v28  }
0x10a: {  	v51 =	vld [tilespmem:s1+$0x20E0];
	v12 =	vadd.f32 v12, v60;
	v23 =	vadd.f32 v24, v39  }
0x10b: {  	v56 =	vld [tilespmem:s1+$0xD0];
	v24 =	vadd.f32 v63, v47;
	v53 =	vadd.f32 v32, v28  }
0x10c: {  	v50 =	vld [tilespmem:s1+$0x20D0];
	v16 =	vadd.f32 v35, v16;
	v23 =	vadd.f32 v37, v23  }
0x10d: {  	v54 =	vld [tilespmem:s1+$0xC0];
	v24 =	vadd.f32 v33, v24;
	v57 =	vadd.f32 v22, v53  }
0x10e: {  	v52 =	vld [tilespmem:s1+$0x20F0];
	v16 =	vadd.f32 v27, v16;
	v23 =	vadd.f32 v29, v23  }
0x10f: {  	v49 =	vld [tilespmem:s1+$0x20C0];
	v55 =	vadd.f32 v25, v24;
	v10 =	vadd.f32 v10, v57  }
0x110: {  	v59 =	vld [tilespmem:s1+$0x40F0];
	v14 =	vadd.f32 v14, v16;
	v17 =	vadd.f32 v17, v23  }
0x111: {  	v58 =	vld [tilespmem:s1+$0xE0];
	v4 =	vadd.f32 v4, v10;
	v10 =	vadd.f32 v50, v56  }
0x112: {  	v17 =	vadd.f32 v7, v17;
	v7 =	vadd.f32 v11, v55;
	v11 =	vld [tilespmem:s1+$0xF0]  }
0x113: {  	[tilespmem:s1+$0x30] =	vst v1;
	v6 =	vadd.f32 v6, v14;
	v14 =	vld [tilespmem:s1+$0x40E0];
	v1 =	vadd.f32 v48, v10  }
0x114: {  	v61 =	vld [tilespmem:s1+$0x60F0];
	v5 =	vadd.f32 v5, v7;
	v7 =	vadd.f32 v49, v54  }
0x115: {  	[tilespmem:s1+$0x0] =	vst v20;
	v13 =	vadd.f32 v13, v62;
	v60 =	vld [tilespmem:s1+$0x60E0];
	v1 =	vadd.f32 v18, v1  }
0x116: {  	s31 =	sadd.s32 $0x4, s31;
	[tilespmem:s1+$0x20] =	vst v0;
	v62 =	vld [tilespmem:s1+$0x80E0];
	v0 =	vadd.f32 v46, v7;
	v7 =	vadd.f32 v51, v58  }
0x117: {  	p0 =	slt.u32 s31, $0x7C;
	[tilespmem:s1+$0x10] =	vst v21;
	v63 =	vadd.f32 v52, v11;
	v8 =	vadd.f32 v8, v1;
	v1 =	vld [tilespmem:$0x1FFC0]  }
.Ltmp0:
0x118: {  	[tilespmem:s1+$0x40] =	vst v15;
	v10 =	vld [tilespmem:s1+$0x80F0];
	v0 =	vadd.f32 v19, v0;
	v7 =	vadd.f32 v14, v7;
	(pc) =	sbr.rel @p0 .LBB2_3-.Ltmp0, $4  }
0x119: {  	[tilespmem:s1+$0x50] =	vst v2;
	v11 =	vld [tilespmem:s1+$0xA0E0];
	v2 =	vadd.f32 v59, v63  }
0x11a: {  	[tilespmem:s1+$0x60] =	vst v12;
	v15 =	vadd.f32 v9, v0;
	v14 =	vadd.f32 v60, v7;
	v9 =	vld [tilespmem:s1+$0xA0F0]  }
0x11b: {  	s29 =	smov.u32 s1;
	[tilespmem:s1+$0x70] =	vst v13;
	v7 =	vld [tilespmem:s1+$0xC0E0];
	v12 =	vadd.f32 v61, v2  }
0x11c: {  	[tilespmem:s29+$0x80] =	vst v17;
	s1 =	sadd.s32 $0x100, s1;
	v13 =	vadd.f32 v1, v15;
	v0 =	vmov v3;
	v14 =	vadd.f32 v62, v14;
	v3 =	vld [tilespmem:s29+$0xC0F0]  }
0x11d: {  	v1 =	vadd.f32 v10, v12;
	v2 =	vld [tilespmem:$0x1FFD0]  }
0x11e: {  	v61 =	vld [tilespmem:$0x1FFE0];
	v60 =	vadd.f32 v11, v14  }
0x11f: {  	[tilespmem:s29+$0x90] =	vst v6;
	v1 =	vadd.f32 v9, v1  }
0x120: {  	[tilespmem:s29+$0xA0] =	vst v5;
	s28 =	sadd.s32 $0x1, s28;
	v62 =	vadd.f32 v7, v60  }
0x121: {  	v0 =	vadd.f32 v0, v8;
	[tilespmem:s29+$0xB0] =	vst v4;
	p0 =	sne.s32 s28, $0x32;
	v63 =	vadd.f32 v3, v1  }
.Ltmp1:
0x122: {  	v2 =	vadd.f32 v2, v13;
	[tilespmem:s29+$0xE0] =	vst v62;
	(pc) =	sbr.rel @p0 .LBB2_2-.Ltmp1, $4  }
0x123: {  	s1 =	sadd.s32 s3, s30;
	v0 =	vadd.f32 v61, v0;
	[tilespmem:s29+$0xF0] =	vst v63  }
0x124: {  	s1 =	sshll.u32 s1, $0x3;
	[tilespmem:s29+$0xC0] =	vst v2  }
0x125: {  	s1 =	sadd.s32 s2, s1;
	[tilespmem:s29+$0xD0] =	vst v0  }
0x126: {  	[hbm4b:s1+s4] =	stream.linear.scatter [tilespmem:s24], [sflag:$0x2], $0x2000, $0x38;
	[tilespmem:$0x18F00] =	vst v63  }
0x127: {  	s26 =	sadd.s32 $0x1, s26  }
0x128: {  	p0 =	sne.s32 s26, s13  }
.Ltmp2:
0x129: {  	_ = 	snop;
	(pc) =	sbr.rel @p0 .LBB2_1-.Ltmp2, $4  }
0x12a: {  	_ = 	snop  }
0x12b: {  	_ =	swait.ge [sflag:s25], $0x2000  }
0x12c: {  	[sflag:s25] =	ssyncset.done $0x0  }
0x12d: {  	[sflag:s25] =	ssyncadd.s32 $0xFFFFE000  }
0x12e: {  	_ =	sfence.sel $0x180000  }
0x12f: {  	[bflag:$0x0] =	sbarrier.arrive $0xFFFF  }
0x130: {  	_ =	strace $0x90000047  }
0x131: {  	[bflag:$0x2] =	sbarrier.arrive $0xFFFF  }
0x132: {  	p0 =	sne.s32 s0, $0x0;
	s0 =	rddreg [dreg:$0x2]  }
0x133: {  	s0 =	sadd.s32 @!p0 $0x100000, s0  }
0x134: {  	[sflag:s0] =	ssyncadd.tile.s32 @!p0 $0x1;
	_ =	shalt  }
.Lfunc_end2:
_tile_overlayer_lowered:
.L_overlay_start_2:
0x135: {  	(tag) =	ssettag $0x2  }
0x136: {  	s0 =	rddreg [dreg:$0x0];
	s2 =	stileid.u32  }
0x137: {  	s1 =	rddreg [dreg:$0x1];
	p0 =	sne.s32 s2, $0x0  }
0x138: {  	s3 =	rddreg [dreg:$0x2];
	[bflag:$0x3] =	sbarrier.arrive $0xFFFF;
	s2 =	simm.s32 @!p0 $0x1C03  }
0x139: {  	[timem:s3], [sflag:s2] =	dma.local @!p0 [hbm:s0], s1  }
0x13a: {  	s0 =	simm.s32 @!p0 $0x3  }
0x13b: {  	_ =	swait.ge @!p0 [sflag:s0], s1  }
0x13c: {  	s1 =	ssub.s32 @!p0 $0x0, s1;
	[sflag:s0] =	ssyncset.done @!p0 $0x0  }
0x13d: {  	[sflag:s0] =	ssyncadd.s32 @!p0 s1  }
0x13e: {  	[bflag:$0x3] =	sbarrier.arrive $0xFFFF  }
0x13f: {  	_ =	shalt  }

// kernel: sparse-core-data-format-call.cloned.1.call-start
scs
called_computation_lowered:
.L_overlay_start_0:
0x0: {  	s2 =	sld [smem:$0x3FD9]  }
0x1: {  	s3 =	sld [smem:$0x3FFE];
	_ =	sdelay $0x1  }
0x2: {  	s1 =	srdreg.scid  }
0x3: {  	s0 =	sand.u32 $0x1, s1  }
0x4: {  	s15 =	sshll.u32 s0, $0xA;
	s2 =	sadd.s32 s3, s2  }
0x5: {  	s2 =	sadd.s32 s2, s15  }
0x6: {  	[smem:$0x3FA9] =	sst s2  }
0x7: {  	_ = 	snop  }
0x8: {  	s2 =	sld [smem:$0x3FD0];
	_ =	sdelay $0x2  }
0x9: {  	s16 =	simm.s32 $0xA;
	s4 =	simm.s32 $0x10  }
0xa: {  	[smem:s4], [sflag:s16] =	dma.local [hbm:s2], $0x1  }
0xb: {  	_ =	swait.eq [sflag:s16], $0x1  }
0xc: {  	[sflag:s16] =	ssyncset.done $0x0  }
0xd: {  	[sflag:s16] =	ssyncadd.s32 $0xFFFFFFFF  }
0xe: {  	s17 =	sld [smem:$0x10];
	(tm) =	ssettm $0x1  }
0xf: {  	s18 =	sld [smem:$0x3FFB];
	_ =	sdelay $0x3  }
0x10: {  	_ =	strace s18  }
0x11: {  	s3 =	sld [smem:$0x3FFC];
	_ =	sdelay $0x3  }
0x12: {  	_ =	strace s3  }
0x13: {  	s3 =	sld [smem:$0x3FFD];
	_ =	sdelay $0x3  }
0x14: {  	_ =	strace s3  }
0x15: {  	_ =	strace $0x8FFFFFFF  }
0x16: {  	s19 =	sld [smem:$0x3FDB];
	_ =	sdelay $0x1  }
0x17: {  	s20 =	simm.s32 $_scs_section_size  }
0x18: {  	s5 =	simm.s32 $_size__tile_overlayer_lowered;
	s6 =	simm.s32 $_tile_overlayer_lowered  }
0x19: {  	s23 =	simm.s32 $0x1BFF;
	s22 =	sshll.u32 s6, $0x1;
	s3 =	sadd.s32 s20, s19  }
0x1a: {  	s7 =	simm.s32 $0x0;
	s21 =	sshll.u32 s5, $0x1;
	s5 =	sadd.s32 s22, s3  }
0x1b: {  	[timem:s7], [sflag:s23] =	dma.local [hbm:s5], s21  }
0x1c: {  	_ =	swait.ge [sflag:s23], s21  }
0x1d: {  	s4 =	ssub.s32 $0x0, s21;
	[sflag:s23] =	ssyncset.done $0x0  }
0x1e: {  	[sflag:s23] =	ssyncadd.s32 s4;
	_ =	sdelay $0x1  }
0x1f: {  	s24 =	simm.s32 $0x1B8B  }
0x20: {  	_ =	swait.ge [sflag:s24], $0x1  }
0x21: {  	[sflag:s24] =	ssyncset.done $0x0  }
0x22: {  	s26 =	simm.s32 $0x1B8E;
	s25 =	sld [smem:$0x3FFE];
	[sflag:s24] =	ssyncadd.s32 $0xFFFFFFFF  }
0x23: {  	s27 =	simm.s32 $execute0_lowered;
	[smem:$0x3FD2] =	sst s26  }
0x24: {  	s5 =	sshll.u32 s27, $0x1;
	_ =	strace $0x80000049;
	[dreg:$0x1] =	wrdreg $0xFFFFFFFF  }
0x25: {  	s28 =	simm.s32 $_size_execute0_lowered;
	s3 =	sadd.s32 s3, s5;
	[dreg:$0x0] =	wrdreg $0x0  }
0x26: {  	s5 =	sshll.u32 s28, $0x1;
	[dreg:$0x2] =	wrdreg s3  }
0x27: {  	[dreg:$0x3] =	wrdreg s5  }
0x28: {  	[dreg:$0x4] =	wrdreg $0xC0  }
0x29: {  	_ =	task [dreg:s7], $0x5FFFF  }
0x2a: {  	[dreg:$0x1] =	wrdreg $0xFFFFFFFF  }
0x2b: {  	[dreg:$0x0] =	wrdreg $0x60  }
0x2c: {  	[dreg:$0x2] =	wrdreg s25  }
0x2d: {  	[dreg:$0x3] =	wrdreg s17  }
0x2e: {  	[dreg:$0x4] =	wrdreg $0x9  }
0x2f: {  	_ =	task.clear_ibuf [dreg:s7], $0x5FFFF;
	_ =	strace $0x90000049  }
0x30: {  	s29 =	simm.s32 $0x9;
	_ =	strace $0x8000004B  }
0x31: {  	_ =	swait.ge [sflag:s29], $0x1  }
0x32: {  	[sflag:s29] =	ssyncadd.s32 $0xFFFFFFFF  }
0x33: {  	_ =	strace $0x9000004B  }
0x34: {  	_ =	sfence  }
0x35: {  	s30 =	sld [smem:$0x0];
	_ =	sdelay $0x2  }
0x36: {  	s31 =	sshll.u32 s1, $0xD;
	s1 =	sshrl.u32 s1, $0x2  }
0x37: {  	s3 =	sand.u32 $0x4000, s31;
	s1 =	sadd.s32 s1, s30  }
0x38: {  	s0 =	sor.u32 s3, s0;
	s1 =	sshll.u32 s1, $0x11  }
0x39: {  	s0 =	sor.u32 s1, s0  }
0x3a: {  	s0 =	sadd.s32 $0x8F2B, s0  }
0x3b: {  	[sflag:s0] =	ssyncadd.remote.s32 $0x1  }
0x3c: {  	_ =	sfence.sel $0xFFFF  }
0x3d: {  	[dreg:$0x0] =	wrdreg $0xFFFFFFFF;
	(pc) =	sbr.abs _section_cstart, $3  }
0x3e: {  	[dreg:$0x1] =	wrdreg $0xFFFFFFFF  }
0x3f: {  	_ =	task.clear_ibuf [dreg:s7], $0x2FFFF;
	_ =	strace $0x9FFFFFFF  }
0x40: {  	(tm) =	ssettm $0x7FFFFFFF  }
0x41: {  	_ =	shalt  }
tec
execute0_lowered:
.L_overlay_start_1:
0x0: {  	(tag) =	ssettag $0x1  }
0x1: {  	s0 =	stileid.u32;
	s6 =	rddreg [dreg:$0x0]  }
0x2: {  	s2 =	rddreg [dreg:$0x1];
	s5 =	srdreg.scid  }
0x3: {  	s31 =	simm.s32 $0x2;
	s13 =	simm.s32 $0x0;
	s1 =	sshll.u32 s0, $0x7  }
0x4: {  	s14 =	simm.s32 $0x0;
	s12 =	simm.s32 $0x0;
	s3 =	sand.u32 $0x380, s1  }
0x5: {  	s5 =	sshll.u32 s5, $0x4;
	s6 =	sadd.s32 $0x323000, s6;
	s4 =	ssub.s32 $0x400, s3  }
0x6: {  	s1 =	rddreg [dreg:$0x2];
	_ =	strace $0x8000004A;
	s7 =	sand.u32 $0x380, s4  }
0x7: {  	s5 =	sand.u32 $0x10, s5;
	p0 =	sne.s32 s7, $0x0;
	s7 =	simm.s32 $0x1  }
.Ltmp0:
0x8: {  	s8 =	sshrl.u32 s4, $0xA;
	s7 =	simm.s32 @!p0 $0x0;
	(pc) =	sbr.rel .LBB1_1-.Ltmp0, $4  }
0x9: {  	s9 =	sor.u32 s0, s5;
	s4 =	simm.s32 $0x1;
	s30 =	sadd.s32 s7, s8  }
0xa: {  	s11 =	smov.u32 s3;
	[sflag:s4] =	ssyncpa.u1 $0x0;
	s5 =	smul.u32 $0x32, s30  }
0xb: {  	[sflag:s31] =	ssyncpa.u1 $0x0;
	p0 =	por $0x0, $0x0;
	s7 =	sshrl.u32 s9, $0x3  }
0xc: {  	s9 =	simm.s32 $0x2000;
	s10 =	smov.u32 s7;
	s8 =	sor.u32 $0x1, s5  }
.LBB1_4:
0xd: {  	s17 =	sand.u32 $0x1F80, s14;
	s13 =	sshll.u32 s13, $0xD  }
0xe: {  	[tilespmem:s16+$0x810 ss:$0x81] =	vst.msk $0xffff, v2;
	s18 =	sshrl.u32 s14, $0x3;
	s31 =	sand.u32 $0x7, s14;
	s17 =	sadd.s32 s2, s17  }
0xf: {  	[tilespmem:s16+$0x1020 ss:$0x81] =	vst.msk $0xffff, v0;
	s18 =	sand.u32 $0xF, s18;
	s14 =	sshll.u32 s31, $0x12;
	s13 =	sadd.s32 s13, s17  }
0x10: {  	[tilespmem:s16+$0x0 ss:$0x81] =	vst.msk $0xffff, v1;
	s14 =	sor.u32 $0x400, s14;
	s13 =	sadd.s32 s18, s13  }
0x11: {  	[hbm4b:s13+s14] =	stream.strided.scatter [tilespmem:s15], [sflag:$0x2], $0x2000, s9, s14, $0x20;
	[tilespmem:$0x8080] =	vst v63  }
.LBB1_5:
0x12: {  	s15 =	sadd.s32 $0x4, s10  }
0x13: {  	s13 =	sadd.s32 $0x400, s11;
	s17 =	smov.u32 s11;
	p2 =	sgt.s32 s15, $0xC7  }
0x14: {  	s17 =	smov.u32 @p2 s13  }
0x15: {  	s15 =	smov.u32 @p2 s7;
	p2 =	sgt.s32 s17, $0x3FF  }
0x16: {  	s17 =	smov.u32 @p2 s3;
	p2 =	sne.s32 s12, s8  }
.Ltmp1:
0x17: {  	p1 =	slt.u32 s12, $0x2;
	(pc) =	sbr.rel @!p2 .LBB1_6-.Ltmp1, $4  }
0x18: {  	s16 =	simm.s32 @!p1 $0x2  }
0x19: {  	s14 =	smov.u32 s11;
	p0 =	por !p0, !p0;
	_ =	swait.ge @!p1 [sflag:s16], $0x2000  }
0x1a: {  	s13 =	smov.u32 s10;
	[sflag:s16] =	ssyncset.done @!p1 $0x0;
	s10 =	smov.u32 s15  }
0x1b: {  	s12 =	sadd.s32 $0x1, s12;
	[sflag:s16] =	ssyncadd.s32 @!p1 $0xFFFFE000;
	s11 =	smov.u32 s17  }
.LBB1_1:
0x1c: {  	p1 =	sge.u32 s12, s5  }
0x1d: {  	s15 =	sand.u32 @!p1 $0x1FFFFFF, s10  }
0x1e: {  	s16 =	smulhi.u32 @!p1 $0x147AE15, s15;
	_ =	sdelay $0x1  }
0x1f: {  	s16 =	smul.u32 @!p1 $0xC8, s16  }
0x20: {  	s17 =	sxor.u32 @!p1 $0xFFFFFFFF, s12;
	s18 =	smul.u32 @!p1 $0xC80, s11  }
0x21: {  	s31 =	sadd.s32 $0xFFFFFFFF, s12;
	s17 =	sshll.u32 @!p1 s17, $0xD;
	s15 =	ssub.s32 @!p1 s15, s16  }
0x22: {  	s16 =	sand.u32 @!p1 $0x2000, s17;
	s17 =	sadd.s32 @!p1 s6, s18;
	s15 =	sshll.u32 @!p1 s15, $0x4  }
0x23: {  	s18 =	simm.s32 @!p1 $0x6400;
	s15 =	sadd.s32 @!p1 s15, s17;
	s17 =	simm.s32 @!p1 $0x40  }
0x24: {  	[tilespmem:s16], [sflag:$0x1] =	stream.strided.gather @!p1 [hbm4b:s15+s17], $0x2000, s18, s17, $0x38;
	[tilespmem:$0x8080] =	vst v63  }
0x25: {  	p1 =	sge.u32 s31, s5  }
.Ltmp2:
0x26: {  	_ = 	snop;
	(pc) =	sbr.rel @p1 .LBB1_5-.Ltmp2, $1  }
0x27: {  	_ =	sdelay $0x3  }
0x28: {  	s15 =	simm.s32 $0x1  }
0x29: {  	_ =	swait.ge [sflag:s4], $0x2000;
	s15 =	simm.s32 @!p0 $0x0  }
0x2a: {  	[sflag:s4] =	ssyncset.done $0x0;
	s16 =	sshll.u32 s15, $0xD  }
0x2b: {  	[sflag:s4] =	ssyncadd.s32 $0xFFFFE000;
	s19 =	sor.u32 $0x20, s16  }
0x2c: {  	s15 =	smul.u32 $0x8100, s15;
	v3 =	vld [tilespmem:s19+$0x10]  }
0x2d: {  	s30 =	sand.u32 $0x1, s12;
	v2 =	vld [tilespmem:s19+$0xFFFFFFF0]  }
0x2e: {  	s16 =	smul.u32 $0x8100, s30;
	s15 =	sshrl.u32 s15, $0x2;
	v0 =	vld [tilespmem:s19+$0x0]  }
0x2f: {  	v1 =	vld [tilespmem:s19+$0xFFFFFFE0];
	s17 =	sor.u32 $0x4000, s15  }
0x30: {  	s31 =	sshrl.u32 s16, $0x2;
	s16 =	sadd.s32 $0x0, s17  }
0x31: {  	s18 =	simm.s32 $0x4;
	s19 =	sadd.s32 $0x40, s19;
	s15 =	sor.u32 $0x4000, s31;
	[tilespmem:s16+$0x1830 ss:$0x81] =	vst.msk $0xffff, v3  }
.LBB1_3:
0x32: {  	v3 =	vld [tilespmem:s19+$0x10];
	p1 =	sne.s32 s18, $0x1FC;
	[tilespmem:s16+$0x810 ss:$0x81] =	vst.msk $0xffff, v2;
	s20 =	smov.u32 s18;
	s18 =	sadd.s32 $0x4, s18  }
.Ltmp3:
0x33: {  	v2 =	vld [tilespmem:s19+$0xFFFFFFF0];
	[tilespmem:s16+$0x1020 ss:$0x81] =	vst.msk $0xffff, v0;
	(pc) =	sbr.rel @p1 .LBB1_3-.Ltmp3, $4  }
0x34: {  	v0 =	vld [tilespmem:s19+$0x0];
	[tilespmem:s16+$0x0 ss:$0x81] =	vst.msk $0xffff, v1  }
0x35: {  	s16 =	sshra.s32 s20, $0x2;
	v1 =	vld [tilespmem:s19+$0xFFFFFFE0]  }
0x36: {  	s16 =	sadd.s32 s16, s17  }
0x37: {  	s19 =	sadd.s32 $0x40, s19;
	[tilespmem:s16+$0x1830 ss:$0x81] =	vst.msk $0xffff, v3  }
.Ltmp4:
0x38: {  	_ = 	snop;
	(pc) =	sbr.rel .LBB1_4-.Ltmp4, $1  }
0x39: {  	_ =	sdelay $0x3  }
.LBB1_6:
0x3a: {  	_ =	sfence.sel $0x180000  }
0x3b: {  	s2 =	simm.s32 $0x1;
	[bflag:$0x0] =	sbarrier.arrive $0xFFFF  }
0x3c: {  	s31 =	simm.s32 $0x2;
	[sflag:s2] =	ssyncpa.u1 $0x1  }
0x3d: {  	[sflag:s31] =	ssyncpa.u1 $0x1  }
0x3e: {  	p0 =	sne.s32 s0, $0x0;
	_ =	strace $0x9000004A  }
0x3f: {  	s0 =	sadd.s32 @!p0 $0x100000, s1;
	[bflag:$0x2] =	sbarrier.arrive $0xFFFF  }
0x40: {  	[sflag:s0] =	ssyncadd.tile.s32 @!p0 $0x1;
	_ =	shalt  }
.Lfunc_end1:
_tile_overlayer_lowered:
.L_overlay_start_2:
0x41: {  	(tag) =	ssettag $0x2  }
0x42: {  	s0 =	rddreg [dreg:$0x0];
	s2 =	stileid.u32  }
0x43: {  	s1 =	rddreg [dreg:$0x1];
	p0 =	sne.s32 s2, $0x0  }
0x44: {  	s3 =	rddreg [dreg:$0x2];
	[bflag:$0x3] =	sbarrier.arrive $0xFFFF;
	s2 =	simm.s32 @!p0 $0x1C01  }
0x45: {  	[timem:s3], [sflag:s2] =	dma.local @!p0 [hbm:s0], s1  }
0x46: {  	s0 =	simm.s32 @!p0 $0x1  }
0x47: {  	_ =	swait.ge @!p0 [sflag:s0], s1  }
0x48: {  	s1 =	ssub.s32 @!p0 $0x0, s1;
	[sflag:s0] =	ssyncset.done @!p0 $0x0  }
0x49: {  	[sflag:s0] =	ssyncadd.s32 @!p0 s1  }
0x4a: {  	[bflag:$0x3] =	sbarrier.arrive $0xFFFF  }
0x4b: {  	_ =	shalt  }

</sc_bundles>
